<compile_context>
chip_gen: v7x
topology: tpu7x:2x2x1
jax: 0.10.2.dev20260603
libtpu: 0.0.44.dev20260713+nightly
codegen_flags: <defaults>
</compile_context>

<pallas_src>
import jax
import jax.numpy as jnp
from jax import lax
from jax.experimental import pallas as pl
from jax.experimental.pallas import tpu as pltpu
from jax.experimental.pallas import tpu_sc as plsc

N_TOKENS = 8192
FEAT = 4096
LANES = 16

NUM_CORES = 2
NUM_SUBCORES = 16
NUM_WORKERS = NUM_CORES * NUM_SUBCORES
ROWS_PER_WORKER = N_TOKENS // NUM_WORKERS
ROWS_PER_BLOCK = 4
NUM_BLOCKS = ROWS_PER_WORKER // ROWS_PER_BLOCK
NBUF_IN = 4
NBUF_OUT = 2


def _permute_body(x_hbm, perm_hbm, out_hbm, perm_v,
                  in0, in1, in2, in3, out0, out1,
                  sin0, sin1, sin2, sin3, sout0, sout1):
    wid = lax.axis_index("s") * NUM_CORES + lax.axis_index("c")
    base = wid * ROWS_PER_WORKER

    pltpu.sync_copy(perm_hbm, perm_v)

    ins, sins = [in0, in1, in2, in3], [sin0, sin1, sin2, sin3]
    outs, souts = [out0, out1], [sout0, sout1]

    def x_slice(g):
        return x_hbm.at[pl.ds(base + g * ROWS_PER_BLOCK, ROWS_PER_BLOCK)]

    def y_slice(g):
        return out_hbm.at[pl.ds(base + g * ROWS_PER_BLOCK, ROWS_PER_BLOCK)]

    row_ids = [jnp.full((LANES,), r, jnp.int32) for r in range(ROWS_PER_BLOCK)]

    def gather_block(in_v, out_v):
        @plsc.parallel_loop(0, FEAT // LANES, 1, unroll=8)
        def jbody(j):
            idx = perm_v[pl.ds(j * LANES, LANES)]
            for r in range(ROWS_PER_BLOCK):
                out_v[r, pl.ds(j * LANES, LANES)] = plsc.load_gather(
                    in_v, [row_ids[r], idx])

    for bi in range(NBUF_IN):
        pltpu.async_copy(x_slice(bi), ins[bi], sins[bi])

    def outer(t, carry):
        for bi in range(NBUF_IN):
            g = t * NBUF_IN + bi
            bo = bi % NBUF_OUT
            pltpu.make_async_copy(x_slice(g), ins[bi], sins[bi]).wait()

            @pl.when(g >= NBUF_OUT)
            def _wait_out():
                pltpu.make_async_copy(
                    outs[bo], y_slice(g - NBUF_OUT), souts[bo]).wait()

            gather_block(ins[bi], outs[bo])
            pltpu.async_copy(outs[bo], y_slice(g), souts[bo])

            @pl.when(g + NBUF_IN < NUM_BLOCKS)
            def _next_in():
                pltpu.async_copy(x_slice(g + NBUF_IN), ins[bi], sins[bi])
        return carry

    lax.fori_loop(0, NUM_BLOCKS // NBUF_IN, outer, 0)

    for bo in range(NBUF_OUT):
        g = NUM_BLOCKS - NBUF_OUT + bo
        pltpu.make_async_copy(outs[bo], y_slice(g), souts[bo]).wait()


@jax.jit
def kernel(x, permute):
    perm = permute.astype(jnp.int32)
    mesh = plsc.VectorSubcoreMesh(
        core_axis_name="c", subcore_axis_name="s",
        num_cores=NUM_CORES, num_subcores=NUM_SUBCORES)
    run = pl.kernel(
        _permute_body,
        out_type=jax.ShapeDtypeStruct((N_TOKENS, FEAT), jnp.float32),
        mesh=mesh,
        compiler_params=pltpu.CompilerParams(needs_layout_passes=False),
        scratch_types=[
            pltpu.VMEM((FEAT,), jnp.int32),
            pltpu.VMEM((ROWS_PER_BLOCK, FEAT), jnp.float32),
            pltpu.VMEM((ROWS_PER_BLOCK, FEAT), jnp.float32),
            pltpu.VMEM((ROWS_PER_BLOCK, FEAT), jnp.float32),
            pltpu.VMEM((ROWS_PER_BLOCK, FEAT), jnp.float32),
            pltpu.VMEM((ROWS_PER_BLOCK, FEAT), jnp.float32),
            pltpu.VMEM((ROWS_PER_BLOCK, FEAT), jnp.float32),
            pltpu.SemaphoreType.DMA,
            pltpu.SemaphoreType.DMA,
            pltpu.SemaphoreType.DMA,
            pltpu.SemaphoreType.DMA,
            pltpu.SemaphoreType.DMA,
            pltpu.SemaphoreType.DMA,
        ],
    )
    return run(x, perm)

# --- scband reference (transcript-rebuilt; emitter-appended) ---
"""Pipeline reference for scband-permute-in-52853867544638 (READ-ONLY COPY).

The authoritative reference and input builder live on the scoring server;
editing this copy changes nothing except your own understanding.
"""

import jax, jax.numpy as jnp
import numpy as np

DIM = 128
HEADS = 32
FULL_DIM = DIM * HEADS  # 4096
N_TOKENS = 8192


def setup_inputs(seed: int = 0) -> dict:
    key = jax.random.key(seed)
    kx, kp = jax.random.split(key)
    x = jax.random.normal(kx, (N_TOKENS, FULL_DIM), dtype=jnp.float32)
    # buffer created in __init__ via torch.randperm(full_dim) (mode='random')
    permute = jax.random.permutation(kp, FULL_DIM).astype(jnp.int64)
    return {"x": x, "permute": permute}


def reference(x, permute):
    # forward: return x[:, self.permute] -> gather along feature dimension
    return jnp.take(x, permute, axis=1)

if __name__ == "__main__":
    import jax
    _d = setup_inputs()
    print(jax.jit(kernel)(*tuple(_d.values())))

</pallas_src>

<mosaic_0001>
#map = affine_map<(d0, d1) -> (0, 0)>
#map1 = affine_map<(d0, d1) -> (0)>
module attributes {stable_mosaic.version = 14 : i64} {
  func.func @_permute_body(%arg0: i32, %arg1: i32, %arg2: memref<8192x4096xf32, #tpu.memory_space<hbm>>, %arg3: memref<4096xi32, #tpu.memory_space<hbm>>, %arg4: memref<8192x4096xf32, #tpu.memory_space<hbm>>, %arg5: memref<4096xi32, #tpu.memory_space<vmem>>, %arg6: memref<4x4096xf32, #tpu.memory_space<vmem>>, %arg7: memref<4x4096xf32, #tpu.memory_space<vmem>>, %arg8: memref<4x4096xf32, #tpu.memory_space<vmem>>, %arg9: memref<4x4096xf32, #tpu.memory_space<vmem>>, %arg10: memref<4x4096xf32, #tpu.memory_space<vmem>>, %arg11: memref<4x4096xf32, #tpu.memory_space<vmem>>, %arg12: memref<!tpu.dma_semaphore, #tpu.memory_space<semaphore_mem>>, %arg13: memref<!tpu.dma_semaphore, #tpu.memory_space<semaphore_mem>>, %arg14: memref<!tpu.dma_semaphore, #tpu.memory_space<semaphore_mem>>, %arg15: memref<!tpu.dma_semaphore, #tpu.memory_space<semaphore_mem>>, %arg16: memref<!tpu.dma_semaphore, #tpu.memory_space<semaphore_mem>>, %arg17: memref<!tpu.dma_semaphore, #tpu.memory_space<semaphore_mem>>) attributes {dimension_semantics = [#tpu.dimension_semantics<core_parallel>, #tpu.dimension_semantics<subcore_parallel>], iteration_bounds = array<i64: 2, 16>, scalar_prefetch = 0 : i64, scratch_operands = 13 : i64, tpu.core_type = #tpu.core_type<sc_vector_subcore>, window_params = [{transform_indices = #map}, {transform_indices = #map1}, {transform_indices = #map}]} {
    %mul3A = arith.constant 2 : i32
    %mul3A_0 = arith.muli %arg1, %mul3A : i32
    %add3A = arith.addi %mul3A_0, %arg0 : i32
    %mul3A_1 = arith.constant 256 : i32
    %mul3A_2 = arith.muli %add3A, %mul3A_1 : i32
    "tpu.region"() ({
      %run_scoped3A = tpu.sem_alloc : memref<!tpu.dma_semaphore, #tpu.memory_space<semaphore_mem>>
      tpu.enqueue_dma source(%arg3 : memref<4096xi32, #tpu.memory_space<hbm>>) target(%arg5 : memref<4096xi32, #tpu.memory_space<vmem>>) target_semaphore(%run_scoped3A : memref<!tpu.dma_semaphore, #tpu.memory_space<semaphore_mem>>)
      tpu.wait_dma2 semaphore(%run_scoped3A : memref<!tpu.dma_semaphore, #tpu.memory_space<semaphore_mem>>) src(%arg3 : memref<4096xi32, #tpu.memory_space<hbm>>) dst(%arg5 : memref<4096xi32, #tpu.memory_space<vmem>>)
      tpu.yield
    }) : () -> ()
    %broadcast_in_dim3A = arith.constant 0 : i32
    %broadcast_in_dim3A_3 = vector.broadcast %broadcast_in_dim3A : i32 to vector<16xi32>
    %broadcast_in_dim3A_4 = arith.constant 1 : i32
    %broadcast_in_dim3A_5 = vector.broadcast %broadcast_in_dim3A_4 : i32 to vector<16xi32>
    %broadcast_in_dim3A_6 = arith.constant 2 : i32
    %broadcast_in_dim3A_7 = vector.broadcast %broadcast_in_dim3A_6 : i32 to vector<16xi32>
    %broadcast_in_dim3A_8 = arith.constant 3 : i32
    %broadcast_in_dim3A_9 = vector.broadcast %broadcast_in_dim3A_8 : i32 to vector<16xi32>
    %add3A_10 = arith.constant 0 : i32
    %add3A_11 = arith.addi %mul3A_2, %add3A_10 : i32
    %dma_start3A = arith.constant 0 : i32
    %dma_start3A_12 = tpu.memref_slice %arg2[%add3A_11, %dma_start3A] : memref<8192x4096xf32, #tpu.memory_space<hbm>> -> memref<4x4096xf32, #tpu.memory_space<hbm>>
    %dma_start3A_13 = arith.constant 0 : i32
    %dma_start3A_14 = tpu.memref_slice %arg2[%add3A_11, %dma_start3A_13] : memref<8192x4096xf32, #tpu.memory_space<hbm>> -> memref<4x4096xf32, #tpu.memory_space<hbm>>
    tpu.enqueue_dma source(%dma_start3A_14 : memref<4x4096xf32, #tpu.memory_space<hbm>>) target(%arg6 : memref<4x4096xf32, #tpu.memory_space<vmem>>) target_semaphore(%arg12 : memref<!tpu.dma_semaphore, #tpu.memory_space<semaphore_mem>>)
    %add3A_15 = arith.constant 4 : i32
    %add3A_16 = arith.addi %mul3A_2, %add3A_15 : i32
    %dma_start3A_17 = arith.constant 0 : i32
    %dma_start3A_18 = tpu.memref_slice %arg2[%add3A_16, %dma_start3A_17] : memref<8192x4096xf32, #tpu.memory_space<hbm>> -> memref<4x4096xf32, #tpu.memory_space<hbm>>
    %dma_start3A_19 = arith.constant 0 : i32
    %dma_start3A_20 = tpu.memref_slice %arg2[%add3A_16, %dma_start3A_19] : memref<8192x4096xf32, #tpu.memory_space<hbm>> -> memref<4x4096xf32, #tpu.memory_space<hbm>>
    tpu.enqueue_dma source(%dma_start3A_20 : memref<4x4096xf32, #tpu.memory_space<hbm>>) target(%arg7 : memref<4x4096xf32, #tpu.memory_space<vmem>>) target_semaphore(%arg13 : memref<!tpu.dma_semaphore, #tpu.memory_space<semaphore_mem>>)
    %add3A_21 = arith.constant 8 : i32
    %add3A_22 = arith.addi %mul3A_2, %add3A_21 : i32
    %dma_start3A_23 = arith.constant 0 : i32
    %dma_start3A_24 = tpu.memref_slice %arg2[%add3A_22, %dma_start3A_23] : memref<8192x4096xf32, #tpu.memory_space<hbm>> -> memref<4x4096xf32, #tpu.memory_space<hbm>>
    %dma_start3A_25 = arith.constant 0 : i32
    %dma_start3A_26 = tpu.memref_slice %arg2[%add3A_22, %dma_start3A_25] : memref<8192x4096xf32, #tpu.memory_space<hbm>> -> memref<4x4096xf32, #tpu.memory_space<hbm>>
    tpu.enqueue_dma source(%dma_start3A_26 : memref<4x4096xf32, #tpu.memory_space<hbm>>) target(%arg8 : memref<4x4096xf32, #tpu.memory_space<vmem>>) target_semaphore(%arg14 : memref<!tpu.dma_semaphore, #tpu.memory_space<semaphore_mem>>)
    %add3A_27 = arith.constant 12 : i32
    %add3A_28 = arith.addi %mul3A_2, %add3A_27 : i32
    %dma_start3A_29 = arith.constant 0 : i32
    %dma_start3A_30 = tpu.memref_slice %arg2[%add3A_28, %dma_start3A_29] : memref<8192x4096xf32, #tpu.memory_space<hbm>> -> memref<4x4096xf32, #tpu.memory_space<hbm>>
    %dma_start3A_31 = arith.constant 0 : i32
    %dma_start3A_32 = tpu.memref_slice %arg2[%add3A_28, %dma_start3A_31] : memref<8192x4096xf32, #tpu.memory_space<hbm>> -> memref<4x4096xf32, #tpu.memory_space<hbm>>
    tpu.enqueue_dma source(%dma_start3A_32 : memref<4x4096xf32, #tpu.memory_space<hbm>>) target(%arg9 : memref<4x4096xf32, #tpu.memory_space<vmem>>) target_semaphore(%arg15 : memref<!tpu.dma_semaphore, #tpu.memory_space<semaphore_mem>>)
    %scan3A = arith.constant 0 : i32
    %scan3A_33 = arith.constant 0 : i32
    %scan3A_34 = arith.constant 16 : i32
    %scan3A_35 = arith.addi %scan3A_33, %scan3A_34 : i32
    %scan3A_36 = arith.constant 1 : i32
    scf.for %scan3A_49 = %scan3A_33 to %scan3A_35 step %scan3A_36  : i32 {
      %mul3A_50 = arith.constant 4 : i32
      %mul3A_51 = arith.muli %scan3A_49, %mul3A_50 : i32
      %add3A_52 = arith.constant 0 : i32
      %add3A_53 = arith.addi %mul3A_51, %add3A_52 : i32
      %mul3A_54 = arith.constant 4 : i32
      %mul3A_55 = arith.muli %add3A_53, %mul3A_54 : i32
      %add3A_56 = arith.addi %mul3A_2, %mul3A_55 : i32
      %dma_wait3A_57 = arith.constant 0 : i32
      %dma_wait3A_58 = tpu.memref_slice %arg2[%add3A_56, %dma_wait3A_57] : memref<8192x4096xf32, #tpu.memory_space<hbm>> -> memref<4x4096xf32, #tpu.memory_space<hbm>>
      %dma_wait3A_59 = arith.constant 0 : i32
      %dma_wait3A_60 = tpu.memref_slice %arg2[%add3A_56, %dma_wait3A_59] : memref<8192x4096xf32, #tpu.memory_space<hbm>> -> memref<4x4096xf32, #tpu.memory_space<hbm>>
      tpu.wait_dma2 semaphore(%arg12 : memref<!tpu.dma_semaphore, #tpu.memory_space<semaphore_mem>>) src(%dma_wait3A_60 : memref<4x4096xf32, #tpu.memory_space<hbm>>) dst(%arg6 : memref<4x4096xf32, #tpu.memory_space<vmem>>)
      %ge3A = arith.constant 2 : i32
      %ge3A_61 = arith.cmpi sge, %add3A_53, %ge3A : i32
      %convert_element_type3A = arith.extui %ge3A_61 : i1 to i32
      %cond3A = arith.constant 0 : i32
      %cond3A_62 = arith.cmpi ne, %convert_element_type3A, %cond3A : i32
      scf.if %cond3A_62 {
        %sub3A = arith.constant 2 : i32
        %sub3A_177 = arith.subi %add3A_53, %sub3A : i32
        %mul3A_178 = arith.constant 4 : i32
        %mul3A_179 = arith.muli %sub3A_177, %mul3A_178 : i32
        %add3A_180 = arith.addi %mul3A_2, %mul3A_179 : i32
        %dma_wait3A_181 = arith.constant 0 : i32
        %dma_wait3A_182 = tpu.memref_slice %arg4[%add3A_180, %dma_wait3A_181] : memref<8192x4096xf32, #tpu.memory_space<hbm>> -> memref<4x4096xf32, #tpu.memory_space<hbm>>
        %dma_wait3A_183 = arith.constant 0 : i32
        %dma_wait3A_184 = tpu.memref_slice %arg4[%add3A_180, %dma_wait3A_183] : memref<8192x4096xf32, #tpu.memory_space<hbm>> -> memref<4x4096xf32, #tpu.memory_space<hbm>>
        tpu.wait_dma2 semaphore(%arg16 : memref<!tpu.dma_semaphore, #tpu.memory_space<semaphore_mem>>) src(%arg10 : memref<4x4096xf32, #tpu.memory_space<vmem>>) dst(%dma_wait3A_184 : memref<4x4096xf32, #tpu.memory_space<hbm>>)
      } else {
      }
      %parallel_loop3A = arith.constant 0 : i32
      %parallel_loop3A_63 = arith.constant 256 : i32
      %parallel_loop3A_64 = arith.constant 1 : i32
      scf.for %parallel_loop3A_177 = %parallel_loop3A to %parallel_loop3A_63 step %parallel_loop3A_64  : i32 {
        %parallel_loop3A_178 = arith.constant 16 : i32
        %parallel_loop3A_179 = arith.muli %parallel_loop3A_177, %parallel_loop3A_178 : i32
        %parallel_loop3A_180 = arith.index_cast %parallel_loop3A_179 : i32 to index
        %parallel_loop3A_181 = tpu.vector_load %arg5[%parallel_loop3A_180] {strides = array<i32>} : memref<4096xi32, #tpu.memory_space<vmem>>, vector<16xi32>,
        %parallel_loop3A_182 = tpu.vector_load_idx %arg6[%broadcast_in_dim3A_3, %parallel_loop3A_181] : memref<4x4096xf32, #tpu.memory_space<vmem>>[vector<16xi32>, vector<16xi32>], vector<16xf32>,
        %parallel_loop3A_183 = arith.constant 16 : i32
        %parallel_loop3A_184 = arith.muli %parallel_loop3A_177, %parallel_loop3A_183 : i32
        %parallel_loop3A_185 = arith.constant 0 : i32
        %parallel_loop3A_186 = arith.index_cast %parallel_loop3A_185 : i32 to index
        %parallel_loop3A_187 = arith.index_cast %parallel_loop3A_184 : i32 to index
        %parallel_loop3A_188 = tpu.vector_load %arg10[%parallel_loop3A_186, %parallel_loop3A_187] {strides = array<i32>} : memref<4x4096xf32, #tpu.memory_space<vmem>>, vector<16xf32>,
        tpu.vector_store %arg10[%parallel_loop3A_186, %parallel_loop3A_187], %parallel_loop3A_182 {strides = array<i32>} : memref<4x4096xf32, #tpu.memory_space<vmem>>, vector<16xf32>,
        %parallel_loop3A_189 = tpu.vector_load_idx %arg6[%broadcast_in_dim3A_5, %parallel_loop3A_181] : memref<4x4096xf32, #tpu.memory_space<vmem>>[vector<16xi32>, vector<16xi32>], vector<16xf32>,
        %parallel_loop3A_190 = arith.constant 16 : i32
        %parallel_loop3A_191 = arith.muli %parallel_loop3A_177, %parallel_loop3A_190 : i32
        %parallel_loop3A_192 = arith.constant 1 : i32
        %parallel_loop3A_193 = arith.index_cast %parallel_loop3A_192 : i32 to index
        %parallel_loop3A_194 = arith.index_cast %parallel_loop3A_191 : i32 to index
        %parallel_loop3A_195 = tpu.vector_load %arg10[%parallel_loop3A_193, %parallel_loop3A_194] {strides = array<i32>} : memref<4x4096xf32, #tpu.memory_space<vmem>>, vector<16xf32>,
        tpu.vector_store %arg10[%parallel_loop3A_193, %parallel_loop3A_194], %parallel_loop3A_189 {strides = array<i32>} : memref<4x4096xf32, #tpu.memory_space<vmem>>, vector<16xf32>,
        %parallel_loop3A_196 = tpu.vector_load_idx %arg6[%broadcast_in_dim3A_7, %parallel_loop3A_181] : memref<4x4096xf32, #tpu.memory_space<vmem>>[vector<16xi32>, vector<16xi32>], vector<16xf32>,
        %parallel_loop3A_197 = arith.constant 16 : i32
        %parallel_loop3A_198 = arith.muli %parallel_loop3A_177, %parallel_loop3A_197 : i32
        %parallel_loop3A_199 = arith.constant 2 : i32
        %parallel_loop3A_200 = arith.index_cast %parallel_loop3A_199 : i32 to index
        %parallel_loop3A_201 = arith.index_cast %parallel_loop3A_198 : i32 to index
        %parallel_loop3A_202 = tpu.vector_load %arg10[%parallel_loop3A_200, %parallel_loop3A_201] {strides = array<i32>} : memref<4x4096xf32, #tpu.memory_space<vmem>>, vector<16xf32>,
        tpu.vector_store %arg10[%parallel_loop3A_200, %parallel_loop3A_201], %parallel_loop3A_196 {strides = array<i32>} : memref<4x4096xf32, #tpu.memory_space<vmem>>, vector<16xf32>,
        %parallel_loop3A_203 = tpu.vector_load_idx %arg6[%broadcast_in_dim3A_9, %parallel_loop3A_181] : memref<4x4096xf32, #tpu.memory_space<vmem>>[vector<16xi32>, vector<16xi32>], vector<16xf32>,
        %parallel_loop3A_204 = arith.constant 16 : i32
        %parallel_loop3A_205 = arith.muli %parallel_loop3A_177, %parallel_loop3A_204 : i32
        %parallel_loop3A_206 = arith.constant 3 : i32
        %parallel_loop3A_207 = arith.index_cast %parallel_loop3A_206 : i32 to index
        %parallel_loop3A_208 = arith.index_cast %parallel_loop3A_205 : i32 to index
        %parallel_loop3A_209 = tpu.vector_load %arg10[%parallel_loop3A_207, %parallel_loop3A_208] {strides = array<i32>} : memref<4x4096xf32, #tpu.memory_space<vmem>>, vector<16xf32>,
        tpu.vector_store %arg10[%parallel_loop3A_207, %parallel_loop3A_208], %parallel_loop3A_203 {strides = array<i32>} : memref<4x4096xf32, #tpu.memory_space<vmem>>, vector<16xf32>,
      } {sc.loop_unroll_factor = 8 : i64, sc.parallel_access}
      %mul3A_65 = arith.constant 4 : i32
      %mul3A_66 = arith.muli %add3A_53, %mul3A_65 : i32
      %add3A_67 = arith.addi %mul3A_2, %mul3A_66 : i32
      %dma_start3A_68 = arith.constant 0 : i32
      %dma_start3A_69 = tpu.memref_slice %arg4[%add3A_67, %dma_start3A_68] : memref<8192x4096xf32, #tpu.memory_space<hbm>> -> memref<4x4096xf32, #tpu.memory_space<hbm>>
      %dma_start3A_70 = arith.constant 0 : i32
      %dma_start3A_71 = tpu.memref_slice %arg4[%add3A_67, %dma_start3A_70] : memref<8192x4096xf32, #tpu.memory_space<hbm>> -> memref<4x4096xf32, #tpu.memory_space<hbm>>
      tpu.enqueue_dma source(%arg10 : memref<4x4096xf32, #tpu.memory_space<vmem>>) target(%dma_start3A_71 : memref<4x4096xf32, #tpu.memory_space<hbm>>) target_semaphore(%arg16 : memref<!tpu.dma_semaphore, #tpu.memory_space<semaphore_mem>>)
      %add3A_72 = arith.constant 4 : i32
      %add3A_73 = arith.addi %add3A_53, %add3A_72 : i32
      %lt3A = arith.constant 64 : i32
      %lt3A_74 = arith.cmpi slt, %add3A_73, %lt3A : i32
      %convert_element_type3A_75 = arith.extui %lt3A_74 : i1 to i32
      %cond3A_76 = arith.constant 0 : i32
      %cond3A_77 = arith.cmpi ne, %convert_element_type3A_75, %cond3A_76 : i32
      scf.if %cond3A_77 {
        %add3A_177 = arith.constant 4 : i32
        %add3A_178 = arith.addi %add3A_53, %add3A_177 : i32
        %mul3A_179 = arith.constant 4 : i32
        %mul3A_180 = arith.muli %add3A_178, %mul3A_179 : i32
        %add3A_181 = arith.addi %mul3A_2, %mul3A_180 : i32
        %dma_start3A_182 = arith.constant 0 : i32
        %dma_start3A_183 = tpu.memref_slice %arg2[%add3A_181, %dma_start3A_182] : memref<8192x4096xf32, #tpu.memory_space<hbm>> -> memref<4x4096xf32, #tpu.memory_space<hbm>>
        %dma_start3A_184 = arith.constant 0 : i32
        %dma_start3A_185 = tpu.memref_slice %arg2[%add3A_181, %dma_start3A_184] : memref<8192x4096xf32, #tpu.memory_space<hbm>> -> memref<4x4096xf32, #tpu.memory_space<hbm>>
        tpu.enqueue_dma source(%dma_start3A_185 : memref<4x4096xf32, #tpu.memory_space<hbm>>) target(%arg6 : memref<4x4096xf32, #tpu.memory_space<vmem>>) target_semaphore(%arg12 : memref<!tpu.dma_semaphore, #tpu.memory_space<semaphore_mem>>)
      } else {
      }
      %mul3A_78 = arith.constant 4 : i32
      %mul3A_79 = arith.muli %scan3A_49, %mul3A_78 : i32
      %add3A_80 = arith.constant 1 : i32
      %add3A_81 = arith.addi %mul3A_79, %add3A_80 : i32
      %mul3A_82 = arith.constant 4 : i32
      %mul3A_83 = arith.muli %add3A_81, %mul3A_82 : i32
      %add3A_84 = arith.addi %mul3A_2, %mul3A_83 : i32
      %dma_wait3A_85 = arith.constant 0 : i32
      %dma_wait3A_86 = tpu.memref_slice %arg2[%add3A_84, %dma_wait3A_85] : memref<8192x4096xf32, #tpu.memory_space<hbm>> -> memref<4x4096xf32, #tpu.memory_space<hbm>>
      %dma_wait3A_87 = arith.constant 0 : i32
      %dma_wait3A_88 = tpu.memref_slice %arg2[%add3A_84, %dma_wait3A_87] : memref<8192x4096xf32, #tpu.memory_space<hbm>> -> memref<4x4096xf32, #tpu.memory_space<hbm>>
      tpu.wait_dma2 semaphore(%arg13 : memref<!tpu.dma_semaphore, #tpu.memory_space<semaphore_mem>>) src(%dma_wait3A_88 : memref<4x4096xf32, #tpu.memory_space<hbm>>) dst(%arg7 : memref<4x4096xf32, #tpu.memory_space<vmem>>)
      %ge3A_89 = arith.constant 2 : i32
      %ge3A_90 = arith.cmpi sge, %add3A_81, %ge3A_89 : i32
      %convert_element_type3A_91 = arith.extui %ge3A_90 : i1 to i32
      %cond3A_92 = arith.constant 0 : i32
      %cond3A_93 = arith.cmpi ne, %convert_element_type3A_91, %cond3A_92 : i32
      scf.if %cond3A_93 {
        %sub3A = arith.constant 2 : i32
        %sub3A_177 = arith.subi %add3A_81, %sub3A : i32
        %mul3A_178 = arith.constant 4 : i32
        %mul3A_179 = arith.muli %sub3A_177, %mul3A_178 : i32
        %add3A_180 = arith.addi %mul3A_2, %mul3A_179 : i32
        %dma_wait3A_181 = arith.constant 0 : i32
        %dma_wait3A_182 = tpu.memref_slice %arg4[%add3A_180, %dma_wait3A_181] : memref<8192x4096xf32, #tpu.memory_space<hbm>> -> memref<4x4096xf32, #tpu.memory_space<hbm>>
        %dma_wait3A_183 = arith.constant 0 : i32
        %dma_wait3A_184 = tpu.memref_slice %arg4[%add3A_180, %dma_wait3A_183] : memref<8192x4096xf32, #tpu.memory_space<hbm>> -> memref<4x4096xf32, #tpu.memory_space<hbm>>
        tpu.wait_dma2 semaphore(%arg17 : memref<!tpu.dma_semaphore, #tpu.memory_space<semaphore_mem>>) src(%arg11 : memref<4x4096xf32, #tpu.memory_space<vmem>>) dst(%dma_wait3A_184 : memref<4x4096xf32, #tpu.memory_space<hbm>>)
      } else {
      }
      %parallel_loop3A_94 = arith.constant 0 : i32
      %parallel_loop3A_95 = arith.constant 256 : i32
      %parallel_loop3A_96 = arith.constant 1 : i32
      scf.for %parallel_loop3A_177 = %parallel_loop3A_94 to %parallel_loop3A_95 step %parallel_loop3A_96  : i32 {
        %parallel_loop3A_178 = arith.constant 16 : i32
        %parallel_loop3A_179 = arith.muli %parallel_loop3A_177, %parallel_loop3A_178 : i32
        %parallel_loop3A_180 = arith.index_cast %parallel_loop3A_179 : i32 to index
        %parallel_loop3A_181 = tpu.vector_load %arg5[%parallel_loop3A_180] {strides = array<i32>} : memref<4096xi32, #tpu.memory_space<vmem>>, vector<16xi32>,
        %parallel_loop3A_182 = tpu.vector_load_idx %arg7[%broadcast_in_dim3A_3, %parallel_loop3A_181] : memref<4x4096xf32, #tpu.memory_space<vmem>>[vector<16xi32>, vector<16xi32>], vector<16xf32>,
        %parallel_loop3A_183 = arith.constant 16 : i32
        %parallel_loop3A_184 = arith.muli %parallel_loop3A_177, %parallel_loop3A_183 : i32
        %parallel_loop3A_185 = arith.constant 0 : i32
        %parallel_loop3A_186 = arith.index_cast %parallel_loop3A_185 : i32 to index
        %parallel_loop3A_187 = arith.index_cast %parallel_loop3A_184 : i32 to index
        %parallel_loop3A_188 = tpu.vector_load %arg11[%parallel_loop3A_186, %parallel_loop3A_187] {strides = array<i32>} : memref<4x4096xf32, #tpu.memory_space<vmem>>, vector<16xf32>,
        tpu.vector_store %arg11[%parallel_loop3A_186, %parallel_loop3A_187], %parallel_loop3A_182 {strides = array<i32>} : memref<4x4096xf32, #tpu.memory_space<vmem>>, vector<16xf32>,
        %parallel_loop3A_189 = tpu.vector_load_idx %arg7[%broadcast_in_dim3A_5, %parallel_loop3A_181] : memref<4x4096xf32, #tpu.memory_space<vmem>>[vector<16xi32>, vector<16xi32>], vector<16xf32>,
        %parallel_loop3A_190 = arith.constant 16 : i32
        %parallel_loop3A_191 = arith.muli %parallel_loop3A_177, %parallel_loop3A_190 : i32
        %parallel_loop3A_192 = arith.constant 1 : i32
        %parallel_loop3A_193 = arith.index_cast %parallel_loop3A_192 : i32 to index
        %parallel_loop3A_194 = arith.index_cast %parallel_loop3A_191 : i32 to index
        %parallel_loop3A_195 = tpu.vector_load %arg11[%parallel_loop3A_193, %parallel_loop3A_194] {strides = array<i32>} : memref<4x4096xf32, #tpu.memory_space<vmem>>, vector<16xf32>,
        tpu.vector_store %arg11[%parallel_loop3A_193, %parallel_loop3A_194], %parallel_loop3A_189 {strides = array<i32>} : memref<4x4096xf32, #tpu.memory_space<vmem>>, vector<16xf32>,
        %parallel_loop3A_196 = tpu.vector_load_idx %arg7[%broadcast_in_dim3A_7, %parallel_loop3A_181] : memref<4x4096xf32, #tpu.memory_space<vmem>>[vector<16xi32>, vector<16xi32>], vector<16xf32>,
        %parallel_loop3A_197 = arith.constant 16 : i32
        %parallel_loop3A_198 = arith.muli %parallel_loop3A_177, %parallel_loop3A_197 : i32
        %parallel_loop3A_199 = arith.constant 2 : i32
        %parallel_loop3A_200 = arith.index_cast %parallel_loop3A_199 : i32 to index
        %parallel_loop3A_201 = arith.index_cast %parallel_loop3A_198 : i32 to index
        %parallel_loop3A_202 = tpu.vector_load %arg11[%parallel_loop3A_200, %parallel_loop3A_201] {strides = array<i32>} : memref<4x4096xf32, #tpu.memory_space<vmem>>, vector<16xf32>,
        tpu.vector_store %arg11[%parallel_loop3A_200, %parallel_loop3A_201], %parallel_loop3A_196 {strides = array<i32>} : memref<4x4096xf32, #tpu.memory_space<vmem>>, vector<16xf32>,
        %parallel_loop3A_203 = tpu.vector_load_idx %arg7[%broadcast_in_dim3A_9, %parallel_loop3A_181] : memref<4x4096xf32, #tpu.memory_space<vmem>>[vector<16xi32>, vector<16xi32>], vector<16xf32>,
        %parallel_loop3A_204 = arith.constant 16 : i32
        %parallel_loop3A_205 = arith.muli %parallel_loop3A_177, %parallel_loop3A_204 : i32
        %parallel_loop3A_206 = arith.constant 3 : i32
        %parallel_loop3A_207 = arith.index_cast %parallel_loop3A_206 : i32 to index
        %parallel_loop3A_208 = arith.index_cast %parallel_loop3A_205 : i32 to index
        %parallel_loop3A_209 = tpu.vector_load %arg11[%parallel_loop3A_207, %parallel_loop3A_208] {strides = array<i32>} : memref<4x4096xf32, #tpu.memory_space<vmem>>, vector<16xf32>,
        tpu.vector_store %arg11[%parallel_loop3A_207, %parallel_loop3A_208], %parallel_loop3A_203 {strides = array<i32>} : memref<4x4096xf32, #tpu.memory_space<vmem>>, vector<16xf32>,
      } {sc.loop_unroll_factor = 8 : i64, sc.parallel_access}
      %mul3A_97 = arith.constant 4 : i32
      %mul3A_98 = arith.muli %add3A_81, %mul3A_97 : i32
      %add3A_99 = arith.addi %mul3A_2, %mul3A_98 : i32
      %dma_start3A_100 = arith.constant 0 : i32
      %dma_start3A_101 = tpu.memref_slice %arg4[%add3A_99, %dma_start3A_100] : memref<8192x4096xf32, #tpu.memory_space<hbm>> -> memref<4x4096xf32, #tpu.memory_space<hbm>>
      %dma_start3A_102 = arith.constant 0 : i32
      %dma_start3A_103 = tpu.memref_slice %arg4[%add3A_99, %dma_start3A_102] : memref<8192x4096xf32, #tpu.memory_space<hbm>> -> memref<4x4096xf32, #tpu.memory_space<hbm>>
      tpu.enqueue_dma source(%arg11 : memref<4x4096xf32, #tpu.memory_space<vmem>>) target(%dma_start3A_103 : memref<4x4096xf32, #tpu.memory_space<hbm>>) target_semaphore(%arg17 : memref<!tpu.dma_semaphore, #tpu.memory_space<semaphore_mem>>)
      %add3A_104 = arith.constant 4 : i32
      %add3A_105 = arith.addi %add3A_81, %add3A_104 : i32
      %lt3A_106 = arith.constant 64 : i32
      %lt3A_107 = arith.cmpi slt, %add3A_105, %lt3A_106 : i32
      %convert_element_type3A_108 = arith.extui %lt3A_107 : i1 to i32
      %cond3A_109 = arith.constant 0 : i32
      %cond3A_110 = arith.cmpi ne, %convert_element_type3A_108, %cond3A_109 : i32
      scf.if %cond3A_110 {
        %add3A_177 = arith.constant 4 : i32
        %add3A_178 = arith.addi %add3A_81, %add3A_177 : i32
        %mul3A_179 = arith.constant 4 : i32
        %mul3A_180 = arith.muli %add3A_178, %mul3A_179 : i32
        %add3A_181 = arith.addi %mul3A_2, %mul3A_180 : i32
        %dma_start3A_182 = arith.constant 0 : i32
        %dma_start3A_183 = tpu.memref_slice %arg2[%add3A_181, %dma_start3A_182] : memref<8192x4096xf32, #tpu.memory_space<hbm>> -> memref<4x4096xf32, #tpu.memory_space<hbm>>
        %dma_start3A_184 = arith.constant 0 : i32
        %dma_start3A_185 = tpu.memref_slice %arg2[%add3A_181, %dma_start3A_184] : memref<8192x4096xf32, #tpu.memory_space<hbm>> -> memref<4x4096xf32, #tpu.memory_space<hbm>>
        tpu.enqueue_dma source(%dma_start3A_185 : memref<4x4096xf32, #tpu.memory_space<hbm>>) target(%arg7 : memref<4x4096xf32, #tpu.memory_space<vmem>>) target_semaphore(%arg13 : memref<!tpu.dma_semaphore, #tpu.memory_space<semaphore_mem>>)
      } else {
      }
      %mul3A_111 = arith.constant 4 : i32
      %mul3A_112 = arith.muli %scan3A_49, %mul3A_111 : i32
      %add3A_113 = arith.constant 2 : i32
      %add3A_114 = arith.addi %mul3A_112, %add3A_113 : i32
      %mul3A_115 = arith.constant 4 : i32
      %mul3A_116 = arith.muli %add3A_114, %mul3A_115 : i32
      %add3A_117 = arith.addi %mul3A_2, %mul3A_116 : i32
      %dma_wait3A_118 = arith.constant 0 : i32
      %dma_wait3A_119 = tpu.memref_slice %arg2[%add3A_117, %dma_wait3A_118] : memref<8192x4096xf32, #tpu.memory_space<hbm>> -> memref<4x4096xf32, #tpu.memory_space<hbm>>
      %dma_wait3A_120 = arith.constant 0 : i32
      %dma_wait3A_121 = tpu.memref_slice %arg2[%add3A_117, %dma_wait3A_120] : memref<8192x4096xf32, #tpu.memory_space<hbm>> -> memref<4x4096xf32, #tpu.memory_space<hbm>>
      tpu.wait_dma2 semaphore(%arg14 : memref<!tpu.dma_semaphore, #tpu.memory_space<semaphore_mem>>) src(%dma_wait3A_121 : memref<4x4096xf32, #tpu.memory_space<hbm>>) dst(%arg8 : memref<4x4096xf32, #tpu.memory_space<vmem>>)
      %ge3A_122 = arith.constant 2 : i32
      %ge3A_123 = arith.cmpi sge, %add3A_114, %ge3A_122 : i32
      %convert_element_type3A_124 = arith.extui %ge3A_123 : i1 to i32
      %cond3A_125 = arith.constant 0 : i32
      %cond3A_126 = arith.cmpi ne, %convert_element_type3A_124, %cond3A_125 : i32
      scf.if %cond3A_126 {
        %sub3A = arith.constant 2 : i32
        %sub3A_177 = arith.subi %add3A_114, %sub3A : i32
        %mul3A_178 = arith.constant 4 : i32
        %mul3A_179 = arith.muli %sub3A_177, %mul3A_178 : i32
        %add3A_180 = arith.addi %mul3A_2, %mul3A_179 : i32
        %dma_wait3A_181 = arith.constant 0 : i32
        %dma_wait3A_182 = tpu.memref_slice %arg4[%add3A_180, %dma_wait3A_181] : memref<8192x4096xf32, #tpu.memory_space<hbm>> -> memref<4x4096xf32, #tpu.memory_space<hbm>>
        %dma_wait3A_183 = arith.constant 0 : i32
        %dma_wait3A_184 = tpu.memref_slice %arg4[%add3A_180, %dma_wait3A_183] : memref<8192x4096xf32, #tpu.memory_space<hbm>> -> memref<4x4096xf32, #tpu.memory_space<hbm>>
        tpu.wait_dma2 semaphore(%arg16 : memref<!tpu.dma_semaphore, #tpu.memory_space<semaphore_mem>>) src(%arg10 : memref<4x4096xf32, #tpu.memory_space<vmem>>) dst(%dma_wait3A_184 : memref<4x4096xf32, #tpu.memory_space<hbm>>)
      } else {
      }
      %parallel_loop3A_127 = arith.constant 0 : i32
      %parallel_loop3A_128 = arith.constant 256 : i32
      %parallel_loop3A_129 = arith.constant 1 : i32
      scf.for %parallel_loop3A_177 = %parallel_loop3A_127 to %parallel_loop3A_128 step %parallel_loop3A_129  : i32 {
        %parallel_loop3A_178 = arith.constant 16 : i32
        %parallel_loop3A_179 = arith.muli %parallel_loop3A_177, %parallel_loop3A_178 : i32
        %parallel_loop3A_180 = arith.index_cast %parallel_loop3A_179 : i32 to index
        %parallel_loop3A_181 = tpu.vector_load %arg5[%parallel_loop3A_180] {strides = array<i32>} : memref<4096xi32, #tpu.memory_space<vmem>>, vector<16xi32>,
        %parallel_loop3A_182 = tpu.vector_load_idx %arg8[%broadcast_in_dim3A_3, %parallel_loop3A_181] : memref<4x4096xf32, #tpu.memory_space<vmem>>[vector<16xi32>, vector<16xi32>], vector<16xf32>,
        %parallel_loop3A_183 = arith.constant 16 : i32
        %parallel_loop3A_184 = arith.muli %parallel_loop3A_177, %parallel_loop3A_183 : i32
        %parallel_loop3A_185 = arith.constant 0 : i32
        %parallel_loop3A_186 = arith.index_cast %parallel_loop3A_185 : i32 to index
        %parallel_loop3A_187 = arith.index_cast %parallel_loop3A_184 : i32 to index
        %parallel_loop3A_188 = tpu.vector_load %arg10[%parallel_loop3A_186, %parallel_loop3A_187] {strides = array<i32>} : memref<4x4096xf32, #tpu.memory_space<vmem>>, vector<16xf32>,
        tpu.vector_store %arg10[%parallel_loop3A_186, %parallel_loop3A_187], %parallel_loop3A_182 {strides = array<i32>} : memref<4x4096xf32, #tpu.memory_space<vmem>>, vector<16xf32>,
        %parallel_loop3A_189 = tpu.vector_load_idx %arg8[%broadcast_in_dim3A_5, %parallel_loop3A_181] : memref<4x4096xf32, #tpu.memory_space<vmem>>[vector<16xi32>, vector<16xi32>], vector<16xf32>,
        %parallel_loop3A_190 = arith.constant 16 : i32
        %parallel_loop3A_191 = arith.muli %parallel_loop3A_177, %parallel_loop3A_190 : i32
        %parallel_loop3A_192 = arith.constant 1 : i32
        %parallel_loop3A_193 = arith.index_cast %parallel_loop3A_192 : i32 to index
        %parallel_loop3A_194 = arith.index_cast %parallel_loop3A_191 : i32 to index
        %parallel_loop3A_195 = tpu.vector_load %arg10[%parallel_loop3A_193, %parallel_loop3A_194] {strides = array<i32>} : memref<4x4096xf32, #tpu.memory_space<vmem>>, vector<16xf32>,
        tpu.vector_store %arg10[%parallel_loop3A_193, %parallel_loop3A_194], %parallel_loop3A_189 {strides = array<i32>} : memref<4x4096xf32, #tpu.memory_space<vmem>>, vector<16xf32>,
        %parallel_loop3A_196 = tpu.vector_load_idx %arg8[%broadcast_in_dim3A_7, %parallel_loop3A_181] : memref<4x4096xf32, #tpu.memory_space<vmem>>[vector<16xi32>, vector<16xi32>], vector<16xf32>,
        %parallel_loop3A_197 = arith.constant 16 : i32
        %parallel_loop3A_198 = arith.muli %parallel_loop3A_177, %parallel_loop3A_197 : i32
        %parallel_loop3A_199 = arith.constant 2 : i32
        %parallel_loop3A_200 = arith.index_cast %parallel_loop3A_199 : i32 to index
        %parallel_loop3A_201 = arith.index_cast %parallel_loop3A_198 : i32 to index
        %parallel_loop3A_202 = tpu.vector_load %arg10[%parallel_loop3A_200, %parallel_loop3A_201] {strides = array<i32>} : memref<4x4096xf32, #tpu.memory_space<vmem>>, vector<16xf32>,
        tpu.vector_store %arg10[%parallel_loop3A_200, %parallel_loop3A_201], %parallel_loop3A_196 {strides = array<i32>} : memref<4x4096xf32, #tpu.memory_space<vmem>>, vector<16xf32>,
        %parallel_loop3A_203 = tpu.vector_load_idx %arg8[%broadcast_in_dim3A_9, %parallel_loop3A_181] : memref<4x4096xf32, #tpu.memory_space<vmem>>[vector<16xi32>, vector<16xi32>], vector<16xf32>,
        %parallel_loop3A_204 = arith.constant 16 : i32
        %parallel_loop3A_205 = arith.muli %parallel_loop3A_177, %parallel_loop3A_204 : i32
        %parallel_loop3A_206 = arith.constant 3 : i32
        %parallel_loop3A_207 = arith.index_cast %parallel_loop3A_206 : i32 to index
        %parallel_loop3A_208 = arith.index_cast %parallel_loop3A_205 : i32 to index
        %parallel_loop3A_209 = tpu.vector_load %arg10[%parallel_loop3A_207, %parallel_loop3A_208] {strides = array<i32>} : memref<4x4096xf32, #tpu.memory_space<vmem>>, vector<16xf32>,
        tpu.vector_store %arg10[%parallel_loop3A_207, %parallel_loop3A_208], %parallel_loop3A_203 {strides = array<i32>} : memref<4x4096xf32, #tpu.memory_space<vmem>>, vector<16xf32>,
      } {sc.loop_unroll_factor = 8 : i64, sc.parallel_access}
      %mul3A_130 = arith.constant 4 : i32
      %mul3A_131 = arith.muli %add3A_114, %mul3A_130 : i32
      %add3A_132 = arith.addi %mul3A_2, %mul3A_131 : i32
      %dma_start3A_133 = arith.constant 0 : i32
      %dma_start3A_134 = tpu.memref_slice %arg4[%add3A_132, %dma_start3A_133] : memref<8192x4096xf32, #tpu.memory_space<hbm>> -> memref<4x4096xf32, #tpu.memory_space<hbm>>
      %dma_start3A_135 = arith.constant 0 : i32
      %dma_start3A_136 = tpu.memref_slice %arg4[%add3A_132, %dma_start3A_135] : memref<8192x4096xf32, #tpu.memory_space<hbm>> -> memref<4x4096xf32, #tpu.memory_space<hbm>>
      tpu.enqueue_dma source(%arg10 : memref<4x4096xf32, #tpu.memory_space<vmem>>) target(%dma_start3A_136 : memref<4x4096xf32, #tpu.memory_space<hbm>>) target_semaphore(%arg16 : memref<!tpu.dma_semaphore, #tpu.memory_space<semaphore_mem>>)
      %add3A_137 = arith.constant 4 : i32
      %add3A_138 = arith.addi %add3A_114, %add3A_137 : i32
      %lt3A_139 = arith.constant 64 : i32
      %lt3A_140 = arith.cmpi slt, %add3A_138, %lt3A_139 : i32
      %convert_element_type3A_141 = arith.extui %lt3A_140 : i1 to i32
      %cond3A_142 = arith.constant 0 : i32
      %cond3A_143 = arith.cmpi ne, %convert_element_type3A_141, %cond3A_142 : i32
      scf.if %cond3A_143 {
        %add3A_177 = arith.constant 4 : i32
        %add3A_178 = arith.addi %add3A_114, %add3A_177 : i32
        %mul3A_179 = arith.constant 4 : i32
        %mul3A_180 = arith.muli %add3A_178, %mul3A_179 : i32
        %add3A_181 = arith.addi %mul3A_2, %mul3A_180 : i32
        %dma_start3A_182 = arith.constant 0 : i32
        %dma_start3A_183 = tpu.memref_slice %arg2[%add3A_181, %dma_start3A_182] : memref<8192x4096xf32, #tpu.memory_space<hbm>> -> memref<4x4096xf32, #tpu.memory_space<hbm>>
        %dma_start3A_184 = arith.constant 0 : i32
        %dma_start3A_185 = tpu.memref_slice %arg2[%add3A_181, %dma_start3A_184] : memref<8192x4096xf32, #tpu.memory_space<hbm>> -> memref<4x4096xf32, #tpu.memory_space<hbm>>
        tpu.enqueue_dma source(%dma_start3A_185 : memref<4x4096xf32, #tpu.memory_space<hbm>>) target(%arg8 : memref<4x4096xf32, #tpu.memory_space<vmem>>) target_semaphore(%arg14 : memref<!tpu.dma_semaphore, #tpu.memory_space<semaphore_mem>>)
      } else {
      }
      %mul3A_144 = arith.constant 4 : i32
      %mul3A_145 = arith.muli %scan3A_49, %mul3A_144 : i32
      %add3A_146 = arith.constant 3 : i32
      %add3A_147 = arith.addi %mul3A_145, %add3A_146 : i32
      %mul3A_148 = arith.constant 4 : i32
      %mul3A_149 = arith.muli %add3A_147, %mul3A_148 : i32
      %add3A_150 = arith.addi %mul3A_2, %mul3A_149 : i32
      %dma_wait3A_151 = arith.constant 0 : i32
      %dma_wait3A_152 = tpu.memref_slice %arg2[%add3A_150, %dma_wait3A_151] : memref<8192x4096xf32, #tpu.memory_space<hbm>> -> memref<4x4096xf32, #tpu.memory_space<hbm>>
      %dma_wait3A_153 = arith.constant 0 : i32
      %dma_wait3A_154 = tpu.memref_slice %arg2[%add3A_150, %dma_wait3A_153] : memref<8192x4096xf32, #tpu.memory_space<hbm>> -> memref<4x4096xf32, #tpu.memory_space<hbm>>
      tpu.wait_dma2 semaphore(%arg15 : memref<!tpu.dma_semaphore, #tpu.memory_space<semaphore_mem>>) src(%dma_wait3A_154 : memref<4x4096xf32, #tpu.memory_space<hbm>>) dst(%arg9 : memref<4x4096xf32, #tpu.memory_space<vmem>>)
      %ge3A_155 = arith.constant 2 : i32
      %ge3A_156 = arith.cmpi sge, %add3A_147, %ge3A_155 : i32
      %convert_element_type3A_157 = arith.extui %ge3A_156 : i1 to i32
      %cond3A_158 = arith.constant 0 : i32
      %cond3A_159 = arith.cmpi ne, %convert_element_type3A_157, %cond3A_158 : i32
      scf.if %cond3A_159 {
        %sub3A = arith.constant 2 : i32
        %sub3A_177 = arith.subi %add3A_147, %sub3A : i32
        %mul3A_178 = arith.constant 4 : i32
        %mul3A_179 = arith.muli %sub3A_177, %mul3A_178 : i32
        %add3A_180 = arith.addi %mul3A_2, %mul3A_179 : i32
        %dma_wait3A_181 = arith.constant 0 : i32
        %dma_wait3A_182 = tpu.memref_slice %arg4[%add3A_180, %dma_wait3A_181] : memref<8192x4096xf32, #tpu.memory_space<hbm>> -> memref<4x4096xf32, #tpu.memory_space<hbm>>
        %dma_wait3A_183 = arith.constant 0 : i32
        %dma_wait3A_184 = tpu.memref_slice %arg4[%add3A_180, %dma_wait3A_183] : memref<8192x4096xf32, #tpu.memory_space<hbm>> -> memref<4x4096xf32, #tpu.memory_space<hbm>>
        tpu.wait_dma2 semaphore(%arg17 : memref<!tpu.dma_semaphore, #tpu.memory_space<semaphore_mem>>) src(%arg11 : memref<4x4096xf32, #tpu.memory_space<vmem>>) dst(%dma_wait3A_184 : memref<4x4096xf32, #tpu.memory_space<hbm>>)
      } else {
      }
      %parallel_loop3A_160 = arith.constant 0 : i32
      %parallel_loop3A_161 = arith.constant 256 : i32
      %parallel_loop3A_162 = arith.constant 1 : i32
      scf.for %parallel_loop3A_177 = %parallel_loop3A_160 to %parallel_loop3A_161 step %parallel_loop3A_162  : i32 {
        %parallel_loop3A_178 = arith.constant 16 : i32
        %parallel_loop3A_179 = arith.muli %parallel_loop3A_177, %parallel_loop3A_178 : i32
        %parallel_loop3A_180 = arith.index_cast %parallel_loop3A_179 : i32 to index
        %parallel_loop3A_181 = tpu.vector_load %arg5[%parallel_loop3A_180] {strides = array<i32>} : memref<4096xi32, #tpu.memory_space<vmem>>, vector<16xi32>,
        %parallel_loop3A_182 = tpu.vector_load_idx %arg9[%broadcast_in_dim3A_3, %parallel_loop3A_181] : memref<4x4096xf32, #tpu.memory_space<vmem>>[vector<16xi32>, vector<16xi32>], vector<16xf32>,
        %parallel_loop3A_183 = arith.constant 16 : i32
        %parallel_loop3A_184 = arith.muli %parallel_loop3A_177, %parallel_loop3A_183 : i32
        %parallel_loop3A_185 = arith.constant 0 : i32
        %parallel_loop3A_186 = arith.index_cast %parallel_loop3A_185 : i32 to index
        %parallel_loop3A_187 = arith.index_cast %parallel_loop3A_184 : i32 to index
        %parallel_loop3A_188 = tpu.vector_load %arg11[%parallel_loop3A_186, %parallel_loop3A_187] {strides = array<i32>} : memref<4x4096xf32, #tpu.memory_space<vmem>>, vector<16xf32>,
        tpu.vector_store %arg11[%parallel_loop3A_186, %parallel_loop3A_187], %parallel_loop3A_182 {strides = array<i32>} : memref<4x4096xf32, #tpu.memory_space<vmem>>, vector<16xf32>,
        %parallel_loop3A_189 = tpu.vector_load_idx %arg9[%broadcast_in_dim3A_5, %parallel_loop3A_181] : memref<4x4096xf32, #tpu.memory_space<vmem>>[vector<16xi32>, vector<16xi32>], vector<16xf32>,
        %parallel_loop3A_190 = arith.constant 16 : i32
        %parallel_loop3A_191 = arith.muli %parallel_loop3A_177, %parallel_loop3A_190 : i32
        %parallel_loop3A_192 = arith.constant 1 : i32
        %parallel_loop3A_193 = arith.index_cast %parallel_loop3A_192 : i32 to index
        %parallel_loop3A_194 = arith.index_cast %parallel_loop3A_191 : i32 to index
        %parallel_loop3A_195 = tpu.vector_load %arg11[%parallel_loop3A_193, %parallel_loop3A_194] {strides = array<i32>} : memref<4x4096xf32, #tpu.memory_space<vmem>>, vector<16xf32>,
        tpu.vector_store %arg11[%parallel_loop3A_193, %parallel_loop3A_194], %parallel_loop3A_189 {strides = array<i32>} : memref<4x4096xf32, #tpu.memory_space<vmem>>, vector<16xf32>,
        %parallel_loop3A_196 = tpu.vector_load_idx %arg9[%broadcast_in_dim3A_7, %parallel_loop3A_181] : memref<4x4096xf32, #tpu.memory_space<vmem>>[vector<16xi32>, vector<16xi32>], vector<16xf32>,
        %parallel_loop3A_197 = arith.constant 16 : i32
        %parallel_loop3A_198 = arith.muli %parallel_loop3A_177, %parallel_loop3A_197 : i32
        %parallel_loop3A_199 = arith.constant 2 : i32
        %parallel_loop3A_200 = arith.index_cast %parallel_loop3A_199 : i32 to index
        %parallel_loop3A_201 = arith.index_cast %parallel_loop3A_198 : i32 to index
        %parallel_loop3A_202 = tpu.vector_load %arg11[%parallel_loop3A_200, %parallel_loop3A_201] {strides = array<i32>} : memref<4x4096xf32, #tpu.memory_space<vmem>>, vector<16xf32>,
        tpu.vector_store %arg11[%parallel_loop3A_200, %parallel_loop3A_201], %parallel_loop3A_196 {strides = array<i32>} : memref<4x4096xf32, #tpu.memory_space<vmem>>, vector<16xf32>,
        %parallel_loop3A_203 = tpu.vector_load_idx %arg9[%broadcast_in_dim3A_9, %parallel_loop3A_181] : memref<4x4096xf32, #tpu.memory_space<vmem>>[vector<16xi32>, vector<16xi32>], vector<16xf32>,
        %parallel_loop3A_204 = arith.constant 16 : i32
        %parallel_loop3A_205 = arith.muli %parallel_loop3A_177, %parallel_loop3A_204 : i32
        %parallel_loop3A_206 = arith.constant 3 : i32
        %parallel_loop3A_207 = arith.index_cast %parallel_loop3A_206 : i32 to index
        %parallel_loop3A_208 = arith.index_cast %parallel_loop3A_205 : i32 to index
        %parallel_loop3A_209 = tpu.vector_load %arg11[%parallel_loop3A_207, %parallel_loop3A_208] {strides = array<i32>} : memref<4x4096xf32, #tpu.memory_space<vmem>>, vector<16xf32>,
        tpu.vector_store %arg11[%parallel_loop3A_207, %parallel_loop3A_208], %parallel_loop3A_203 {strides = array<i32>} : memref<4x4096xf32, #tpu.memory_space<vmem>>, vector<16xf32>,
      } {sc.loop_unroll_factor = 8 : i64, sc.parallel_access}
      %mul3A_163 = arith.constant 4 : i32
      %mul3A_164 = arith.muli %add3A_147, %mul3A_163 : i32
      %add3A_165 = arith.addi %mul3A_2, %mul3A_164 : i32
      %dma_start3A_166 = arith.constant 0 : i32
      %dma_start3A_167 = tpu.memref_slice %arg4[%add3A_165, %dma_start3A_166] : memref<8192x4096xf32, #tpu.memory_space<hbm>> -> memref<4x4096xf32, #tpu.memory_space<hbm>>
      %dma_start3A_168 = arith.constant 0 : i32
      %dma_start3A_169 = tpu.memref_slice %arg4[%add3A_165, %dma_start3A_168] : memref<8192x4096xf32, #tpu.memory_space<hbm>> -> memref<4x4096xf32, #tpu.memory_space<hbm>>
      tpu.enqueue_dma source(%arg11 : memref<4x4096xf32, #tpu.memory_space<vmem>>) target(%dma_start3A_169 : memref<4x4096xf32, #tpu.memory_space<hbm>>) target_semaphore(%arg17 : memref<!tpu.dma_semaphore, #tpu.memory_space<semaphore_mem>>)
      %add3A_170 = arith.constant 4 : i32
      %add3A_171 = arith.addi %add3A_147, %add3A_170 : i32
      %lt3A_172 = arith.constant 64 : i32
      %lt3A_173 = arith.cmpi slt, %add3A_171, %lt3A_172 : i32
      %convert_element_type3A_174 = arith.extui %lt3A_173 : i1 to i32
      %cond3A_175 = arith.constant 0 : i32
      %cond3A_176 = arith.cmpi ne, %convert_element_type3A_174, %cond3A_175 : i32
      scf.if %cond3A_176 {
        %add3A_177 = arith.constant 4 : i32
        %add3A_178 = arith.addi %add3A_147, %add3A_177 : i32
        %mul3A_179 = arith.constant 4 : i32
        %mul3A_180 = arith.muli %add3A_178, %mul3A_179 : i32
        %add3A_181 = arith.addi %mul3A_2, %mul3A_180 : i32
        %dma_start3A_182 = arith.constant 0 : i32
        %dma_start3A_183 = tpu.memref_slice %arg2[%add3A_181, %dma_start3A_182] : memref<8192x4096xf32, #tpu.memory_space<hbm>> -> memref<4x4096xf32, #tpu.memory_space<hbm>>
        %dma_start3A_184 = arith.constant 0 : i32
        %dma_start3A_185 = tpu.memref_slice %arg2[%add3A_181, %dma_start3A_184] : memref<8192x4096xf32, #tpu.memory_space<hbm>> -> memref<4x4096xf32, #tpu.memory_space<hbm>>
        tpu.enqueue_dma source(%dma_start3A_185 : memref<4x4096xf32, #tpu.memory_space<hbm>>) target(%arg9 : memref<4x4096xf32, #tpu.memory_space<vmem>>) target_semaphore(%arg15 : memref<!tpu.dma_semaphore, #tpu.memory_space<semaphore_mem>>)
      } else {
      }
    }
    %scan3A_37 = arith.constant 16 : i32
    %add3A_38 = arith.constant 248 : i32
    %add3A_39 = arith.addi %mul3A_2, %add3A_38 : i32
    %dma_wait3A = arith.constant 0 : i32
    %dma_wait3A_40 = tpu.memref_slice %arg4[%add3A_39, %dma_wait3A] : memref<8192x4096xf32, #tpu.memory_space<hbm>> -> memref<4x4096xf32, #tpu.memory_space<hbm>>
    %dma_wait3A_41 = arith.constant 0 : i32
    %dma_wait3A_42 = tpu.memref_slice %arg4[%add3A_39, %dma_wait3A_41] : memref<8192x4096xf32, #tpu.memory_space<hbm>> -> memref<4x4096xf32, #tpu.memory_space<hbm>>
    tpu.wait_dma2 semaphore(%arg16 : memref<!tpu.dma_semaphore, #tpu.memory_space<semaphore_mem>>) src(%arg10 : memref<4x4096xf32, #tpu.memory_space<vmem>>) dst(%dma_wait3A_42 : memref<4x4096xf32, #tpu.memory_space<hbm>>)
    %add3A_43 = arith.constant 252 : i32
    %add3A_44 = arith.addi %mul3A_2, %add3A_43 : i32
    %dma_wait3A_45 = arith.constant 0 : i32
    %dma_wait3A_46 = tpu.memref_slice %arg4[%add3A_44, %dma_wait3A_45] : memref<8192x4096xf32, #tpu.memory_space<hbm>> -> memref<4x4096xf32, #tpu.memory_space<hbm>>
    %dma_wait3A_47 = arith.constant 0 : i32
    %dma_wait3A_48 = tpu.memref_slice %arg4[%add3A_44, %dma_wait3A_47] : memref<8192x4096xf32, #tpu.memory_space<hbm>> -> memref<4x4096xf32, #tpu.memory_space<hbm>>
    tpu.wait_dma2 semaphore(%arg17 : memref<!tpu.dma_semaphore, #tpu.memory_space<semaphore_mem>>) src(%arg11 : memref<4x4096xf32, #tpu.memory_space<vmem>>) dst(%dma_wait3A_48 : memref<4x4096xf32, #tpu.memory_space<hbm>>)
    return
  }
}

</mosaic_0001>

<sc_bundles>
// kernel: kernel.3.cloned.1.call-start
scs
__scs_entry_jumppad:
0x0: {  	(pc) =	sbr.rel $0x88, $3  }
0x1: {  	(tag) =	ssettag $0x0;
	lr =	simm.s32 $0x1  }
0x2: {  	[smem:$0x3F9F] =	sst lr;
	_ =	strace $0xD0000000  }
0x3: {  	_ = 	snop  }
0x4: {  	_ = 	snop  }
0x5: {  	_ = 	snop  }
0x6: {  	_ = 	snop  }
0x7: {  	_ = 	snop  }
__scs_overlays_trampoline_lowered:
0x8: {  	[smem:$0x3FAE] =	sst s0  }
0x9: {  	[smem:$0x3FAF] =	sst s1  }
0xa: {  	[smem:$0x3FB0] =	sst s2  }
0xb: {  	[smem:$0x3FB1] =	sst s3  }
0xc: {  	[smem:$0x3FB2] =	sst s4  }
0xd: {  	[smem:$0x3FB3] =	sst s5  }
0xe: {  	[smem:$0x3FB4] =	sst s6  }
0xf: {  	[smem:$0x3FB5] =	sst s7  }
0x10: {  	[smem:$0x3FB6] =	sst s8  }
0x11: {  	[smem:$0x3FB7] =	sst s9;
	s0 =	simm.s32 @!p0 $0x0  }
0x12: {  	s1 =	sld [smem:$0x3F9D];
	s0 =	simm.s32 @p0 $0x1  }
0x13: {  	[smem:$0x3FB8] =	sst s0;
	s0 =	simm.s32 @!p1 $0x0  }
0x14: {  	s2 =	sld [smem:$0x3F9C];
	s0 =	simm.s32 @p1 $0x1  }
0x15: {  	[smem:$0x3FB9] =	sst s0;
	s0 =	simm.s32 @!p2 $0x0  }
0x16: {  	s3 =	sld [smem:$0x3FDB];
	s0 =	simm.s32 @p2 $0x1  }
0x17: {  	s4 =	simm.s32 $0x1BF5;
	[smem:$0x3FBB] =	sst s0  }
0x18: {  	s0 =	sld [smem:$0x3F9E];
	_ =	swait.ge [sflag:s4], $0x0  }
0x19: {  	s7 =	sld [smem:$0x3F9F]  }
0x1a: {  	s8 =	sadd.s32 $0xFFFFE003, lr  }
0x1b: {  	s9 =	sadd.s32 $0xFFFFFEF7, lr;
	s5 =	simm.s32 $0xFFFFFFFF;
	p2 =	slt.u32 s8, $0xFFFFF086  }
0x1c: {  	p1 =	slt.u32 s9, $0xF7A;
	s5 =	simm.s32 @!p2 $0x0  }
0x1d: {  	s5 =	simm.s32 @p1 $0x1;
	p0 =	seq.s32 s7, s2  }
0x1e: {  	s7 =	smul.u32 @!p0 $0xF7A, s2;
	p2 =	seq.s32 @!p0 s5, $0x0  }
0x1f: {  	s9 =	smul.u32 $0xF7A, s1;
	s8 =	simm.s32 @!p0 $0x1BF5;
	p2 =	por !p2, p0  }
0x20: {  	[sflag:s8] =	ssyncset.s32 @!p0 $0xFFFFF086;
	s6 =	sadd.s32 @!p0 s3, s7;
	s7 =	simm.s32 @!p0 $0x108  }
0x21: {  	s3 =	sadd.s32 s3, s9;
	s6 =	sadd.s32 @!p0 $0x88, s6;
	s7 =	simm.s32 @p2 $0x1082  }
0x22: {  	[simem:s7], [sflag:s8] =	dma.local @!p0 [hbm:s6], $0xF7A  }
0x23: {  	s9 =	sor.u32 $0xD0000000, s2;
	s6 =	simm.s32 $0x108;
	_ =	swait.ge @!p0 [sflag:s8], $0x0  }
0x24: {  	s3 =	sadd.s32 $0x88, s3;
	s6 =	simm.s32 @!p1 $0x1082;
	[sflag:s4] =	ssyncset.s32 $0xFFFFF086  }
0x25: {  	[simem:s6], [sflag:s4] =	dma.local [hbm:s3], $0xF7A  }
0x26: {  	[smem:$0x3F9F] =	sst s1;
	(tag) =	ssettag s2;
	_ =	strace s9  }
0x27: {  	s1 =	sld [smem:$0x3FAF]  }
0x28: {  	s2 =	sld [smem:$0x3FB0]  }
0x29: {  	s4 =	sld [smem:$0x3FB2]  }
0x2a: {  	p0 =	seq.s32 s5, $0x0;
	s5 =	sld [smem:$0x3FB3]  }
0x2b: {  	s6 =	sld [smem:$0x3FB4]  }
0x2c: {  	s7 =	sld [smem:$0x3FB5]  }
0x2d: {  	s3 =	simm.s32 $0x108;
	s8 =	sld [smem:$0x3FB6]  }
0x2e: {  	s3 =	simm.s32 @!p0 $0x1082;
	s9 =	sld [smem:$0x3FB7]  }
0x2f: {  	lr =	sadd.s32 s0, s3;
	s0 =	sld [smem:$0x3FAE]  }
0x30: {  	s3 =	sld [smem:$0x3FB1]  }
0x31: {  	[smem:$0x3FBA] =	sst s10  }
0x32: {  	s10 =	sld [smem:$0x3FB8];
	_ =	sdelay $0x3  }
0x33: {  	p0 =	seq.s32 s10, $0x1;
	s10 =	sld [smem:$0x3FBA];
	_ =	sdelay $0x3  }
0x34: {  	[smem:$0x3FBA] =	sst s10  }
0x35: {  	s10 =	sld [smem:$0x3FB9];
	_ =	sdelay $0x3  }
0x36: {  	p1 =	seq.s32 s10, $0x1;
	s10 =	sld [smem:$0x3FBA];
	_ =	sdelay $0x3  }
0x37: {  	[smem:$0x3FBA] =	sst s10  }
0x38: {  	s10 =	sld [smem:$0x3FBB]  }
0x39: {  	_ = 	snop;
	(pc) =	sbr.ind lr, $3  }
0x3a: {  	_ = 	snop  }
0x3b: {  	_ = 	snop  }
0x3c: {  	p2 =	seq.s32 s10, $0x1;
	s10 =	sld [smem:$0x3FBA]  }
0x3d: {  	_ =	shalt  }
0x3e: {  	_ =	shalt  }
0x3f: {  	_ =	shalt  }
0x40: {  	_ =	shalt  }
0x41: {  	_ =	shalt  }
0x42: {  	_ =	shalt  }
0x43: {  	_ =	shalt  }
0x44: {  	_ =	shalt  }
0x45: {  	_ =	shalt  }
0x46: {  	_ =	shalt  }
0x47: {  	_ =	shalt  }
0x48: {  	_ =	shalt  }
0x49: {  	_ =	shalt  }
0x4a: {  	_ =	shalt  }
0x4b: {  	_ =	shalt  }
0x4c: {  	_ =	shalt  }
0x4d: {  	_ =	shalt  }
0x4e: {  	_ =	shalt  }
0x4f: {  	_ =	shalt  }
0x50: {  	_ =	shalt  }
0x51: {  	_ =	shalt  }
0x52: {  	_ =	shalt  }
0x53: {  	_ =	shalt  }
0x54: {  	_ =	shalt  }
0x55: {  	_ =	shalt  }
0x56: {  	_ =	shalt  }
0x57: {  	_ =	shalt  }
0x58: {  	_ =	shalt  }
0x59: {  	_ =	shalt  }
0x5a: {  	_ =	shalt  }
0x5b: {  	_ =	shalt  }
0x5c: {  	_ =	shalt  }
0x5d: {  	_ =	shalt  }
0x5e: {  	_ =	shalt  }
0x5f: {  	_ =	shalt  }
0x60: {  	_ =	shalt  }
0x61: {  	_ =	shalt  }
0x62: {  	_ =	shalt  }
0x63: {  	_ =	shalt  }
0x64: {  	_ =	shalt  }
0x65: {  	_ =	shalt  }
0x66: {  	_ =	shalt  }
0x67: {  	_ =	shalt  }
0x68: {  	_ =	shalt  }
0x69: {  	_ =	shalt  }
0x6a: {  	_ =	shalt  }
0x6b: {  	_ =	shalt  }
0x6c: {  	_ =	shalt  }
0x6d: {  	_ =	shalt  }
0x6e: {  	_ =	shalt  }
0x6f: {  	_ =	shalt  }
0x70: {  	_ =	shalt  }
0x71: {  	_ =	shalt  }
0x72: {  	_ =	shalt  }
0x73: {  	_ =	shalt  }
0x74: {  	_ =	shalt  }
0x75: {  	_ =	shalt  }
0x76: {  	_ =	shalt  }
0x77: {  	_ =	shalt  }
0x78: {  	_ =	shalt  }
0x79: {  	_ =	shalt  }
0x7a: {  	_ =	shalt  }
0x7b: {  	_ =	shalt  }
0x7c: {  	_ =	shalt  }
0x7d: {  	_ =	shalt  }
0x7e: {  	_ =	shalt  }
0x7f: {  	_ =	shalt  }
0x80: {  	_ =	shalt  }
0x81: {  	_ =	shalt  }
0x82: {  	_ =	shalt  }
0x83: {  	_ =	shalt  }
0x84: {  	_ =	shalt  }
0x85: {  	_ =	shalt  }
0x86: {  	_ =	shalt  }
0x87: {  	_ =	shalt  }
.Lfunc_end0:
.L_simem_size_0:
called_computation_lowered:
.L_overlay_start_0:
0x88: {  	s2 =	sld [smem:$0x3FD9]  }
0x89: {  	s3 =	sld [smem:$0x3FFE];
	_ =	sdelay $0x1  }
0x8a: {  	s1 =	srdreg.scid  }
0x8b: {  	s0 =	sand.u32 $0x1, s1  }
0x8c: {  	s18 =	sshll.u32 s0, $0xA;
	s2 =	sadd.s32 s3, s2  }
0x8d: {  	s2 =	sadd.s32 s2, s18  }
0x8e: {  	[smem:$0x3FC6] =	sst s2  }
0x8f: {  	_ = 	snop  }
0x90: {  	s2 =	sld [smem:$0x3FC9]  }
0x91: {  	s19 =	sld [smem:$0x3FC8]  }
0x92: {  	s4 =	sld [smem:$0x3FD0];
	(tm) =	ssettm $0x1  }
0x93: {  	s5 =	sld [smem:$0x3FFB];
	_ =	sdelay $0x3  }
0x94: {  	_ =	strace s5  }
0x95: {  	s5 =	sld [smem:$0x3FFC];
	_ =	sdelay $0x3  }
0x96: {  	_ =	strace s5  }
0x97: {  	s5 =	sld [smem:$0x3FFD];
	_ =	sdelay $0x3  }
0x98: {  	_ =	strace s5  }
0x99: {  	_ =	strace $0x8FFFFFFF  }
0x9a: {  	s20 =	sld [smem:$0x3FDB];
	_ =	sdelay $0x1  }
0x9b: {  	s6 =	simm.s32 $_scs_section_size  }
0x9c: {  	s7 =	simm.s32 $_size__tile_overlayer_lowered;
	s8 =	simm.s32 $_tile_overlayer_lowered  }
0x9d: {  	s23 =	simm.s32 $0x1BFF;
	s22 =	sshll.u32 s8, $0x1;
	s5 =	sadd.s32 s6, s20  }
0x9e: {  	s9 =	simm.s32 $0x0;
	s21 =	sshll.u32 s7, $0x1;
	s7 =	sadd.s32 s22, s5  }
0x9f: {  	[timem:s9], [sflag:s23] =	dma.local [hbm:s7], s21  }
0xa0: {  	_ =	swait.ge [sflag:s23], s21  }
0xa1: {  	s6 =	ssub.s32 $0x0, s21;
	[sflag:s23] =	ssyncset.done $0x0  }
0xa2: {  	[sflag:s23] =	ssyncadd.s32 s6;
	_ =	sdelay $0x1  }
0xa3: {  	s24 =	simm.s32 $0x1B8B  }
0xa4: {  	_ =	swait.ge [sflag:s24], $0x1  }
0xa5: {  	[sflag:s24] =	ssyncset.done $0x0  }
0xa6: {  	s25 =	simm.s32 $0x1B8E;
	[sflag:s24] =	ssyncadd.s32 $0xFFFFFFFF  }
0xa7: {  	s26 =	simm.s32 $execute0_lowered;
	[smem:$0x3FD2] =	sst s25  }
0xa8: {  	s6 =	sshll.u32 s26, $0x1;
	_ =	strace $0x80000046;
	[dreg:$0x1] =	wrdreg $0xFFFFFFFF  }
0xa9: {  	s28 =	simm.s32 $_size_execute0_lowered;
	s5 =	sadd.s32 s5, s6;
	[dreg:$0x0] =	wrdreg $0x0  }
0xaa: {  	s6 =	sshll.u32 s28, $0x1;
	[dreg:$0x2] =	wrdreg s5  }
0xab: {  	[dreg:$0x3] =	wrdreg s6  }
0xac: {  	[dreg:$0x4] =	wrdreg $0xC0  }
0xad: {  	_ =	task [dreg:s9], $0x5FFFF  }
0xae: {  	[dreg:$0x1] =	wrdreg $0xFFFFFFFF  }
0xaf: {  	[dreg:$0x0] =	wrdreg $0x60  }
0xb0: {  	[dreg:$0x2] =	wrdreg s2  }
0xb1: {  	[dreg:$0x3] =	wrdreg s19  }
0xb2: {  	[dreg:$0x4] =	wrdreg s4  }
0xb3: {  	[dreg:$0x5] =	wrdreg $0x9  }
0xb4: {  	_ =	task.clear_ibuf [dreg:s9], $0x6FFFF;
	_ =	strace $0x90000046  }
0xb5: {  	s29 =	simm.s32 $0x9;
	_ =	strace $0x80000048  }
0xb6: {  	_ =	swait.ge [sflag:s29], $0x1  }
0xb7: {  	[sflag:s29] =	ssyncadd.s32 $0xFFFFFFFF  }
0xb8: {  	_ =	strace $0x90000048  }
0xb9: {  	_ =	sfence  }
0xba: {  	s30 =	sld [smem:$0x0];
	_ =	sdelay $0x2  }
0xbb: {  	s31 =	sshll.u32 s1, $0xD;
	s1 =	sshrl.u32 s1, $0x2  }
0xbc: {  	s3 =	sand.u32 $0x4000, s31;
	s1 =	sadd.s32 s1, s30  }
0xbd: {  	s0 =	sor.u32 s3, s0;
	s1 =	sshll.u32 s1, $0x11  }
0xbe: {  	s0 =	sor.u32 s1, s0  }
0xbf: {  	s0 =	sadd.s32 $0x8F2B, s0  }
0xc0: {  	[sflag:s0] =	ssyncadd.remote.s32 $0x1  }
0xc1: {  	_ =	sfence.sel $0xFFFF  }
0xc2: {  	[dreg:$0x0] =	wrdreg $0xFFFFFFFF;
	(pc) =	sbr.abs _section_cstart, $3  }
0xc3: {  	[dreg:$0x1] =	wrdreg $0xFFFFFFFF  }
0xc4: {  	_ =	task.clear_ibuf [dreg:s9], $0x2FFFF;
	_ =	strace $0x9FFFFFFF  }
0xc5: {  	(tm) =	ssettm $0x7FFFFFFF  }
tec
execute0_lowered:
.L_overlay_start_1:
0x0: {  	(tag) =	ssettag $0x1  }
0x1: {  	s0 =	rddreg [dreg:$0x0]  }
0x2: {  	s3 =	rddreg [dreg:$0x2]  }
0x3: {  	s1 =	srdreg.scid;
	s5 =	simm.s32 $0x0;
	s4 =	stileid.u32  }
0x4: {  	s19 =	simm.s32 $0x200;
	s20 =	simm.s32 $0x400;
	s21 =	simm.s32 $0x1000  }
0x5: {  	s28 =	simm.s32 $0x2;
	s29 =	simm.s32 $0x6;
	s30 =	simm.s32 $0x15000  }
0x6: {  	s31 =	simm.s32 $0x3;
	s1 =	sand.u32 $0x1, s1;
	s4 =	sshll.u32 s4, $0x12  }
0x7: {  	[smem:$0x7FF] =	sst s5;
	s11 =	sadd.s32 $0x40, s3;
	s13 =	sadd.s32 $0x1000, s3  }
0x8: {  	s15 =	sadd.s32 $0x1040, s3;
	s2 =	ssub.s32 $0x2, s1;
	s1 =	sshll.u32 s1, $0x11  }
0x9: {  	_ =	strace $0x80000047;
	s6 =	sshrl.u32 s2, $0x1;
	s5 =	sor.u32 s1, s4  }
0xa: {  	s1 =	simm.s32 $0x0;
	s22 =	ssub.s32 s2, s6;
	s0 =	sadd.s32 s0, s5  }
0xb: {  	s2 =	simm.s32 $0x4;
	s23 =	sadd.s32 $0x40, s0;
	s24 =	sadd.s32 $0x1000, s0  }
0xc: {  	s25 =	sadd.s32 $0x1040, s0;
	s10 =	sadd.s32 $0x2000, s0;
	[dreg:$0x4] =	wrdreg s0  }
.Ltmp0:
0xd: {  	s12 =	sadd.s32 $0x2040, s0;
	[dreg:$0x5] =	wrdreg s23;
	(pc) =	sbr.rel .LBB2_1-.Ltmp0, $4  }
0xe: {  	s14 =	sadd.s32 $0x3000, s0;
	s16 =	sadd.s32 $0x3040, s0;
	[dreg:$0x6] =	wrdreg s24  }
0xf: {  	s26 =	smax.u32 s22, $0x1;
	s22 =	simm.s32 $0x5000;
	[dreg:$0x7] =	wrdreg s25  }
0x10: {  	s0 =	simm.s32 $0x5;
	[dreg:$0x8] =	wrdreg s26;
	s23 =	simm.s32 $0x9000  }
0x11: {  	s24 =	simm.s32 $0xD000;
	s25 =	simm.s32 $0x1;
	s26 =	simm.s32 $0x11000  }
.LBB2_16:
0x12: {  	_ =	swait.ge [sflag:s0], $0x4000  }
0x13: {  	[sflag:s0] =	ssyncset.done $0x0  }
0x14: {  	[sflag:s0] =	ssyncadd.s32 $0xFFFFC000  }
0x15: {  	_ =	swait.ge [sflag:s29], $0x4000  }
0x16: {  	s1 =	sadd.s32 $0x1, s1;
	s4 =	rddreg [dreg:$0x8]  }
0x17: {  	p0 =	sne.s32 s1, s4  }
.Ltmp1:
0x18: {  	_ = 	snop;
	(pc) =	sbr.rel @!p0 .LBB2_17-.Ltmp1, $3  }
0x19: {  	_ =	sdelay $0x1  }
0x1a: {  	[sflag:s29] =	ssyncset.done $0x0  }
0x1b: {  	[sflag:s29] =	ssyncadd.s32 $0xFFFFC000  }
.LBB2_1:
0x1c: {  	s4 =	rddreg [dreg:$0x1];
	s6 =	simm.s32 $0x0;
	s7 =	simm.s32 $0x7  }
0x1d: {  	[tilespmem:s6], [sflag:$0x7] =	stream.linear.gather [hbm4b:s4+s6], $0x1000, $0x38;
	[tilespmem:$0x19000] =	vst v63  }
0x1e: {  	_ =	swait.ge [sflag:s7], $0x1000  }
0x1f: {  	[sflag:s7] =	ssyncset.done $0x0  }
0x20: {  	s8 =	rddreg [dreg:$0x4];
	[sflag:s7] =	ssyncadd.s32 $0xFFFFF000  }
0x21: {  	[tilespmem:s21], [sflag:$0x1] =	stream.strided.gather [hbm4b:s8+s19], $0x4000, s20, s19, $0x38;
	[tilespmem:$0x19000] =	vst v63  }
0x22: {  	s9 =	rddreg [dreg:$0x5]  }
0x23: {  	[tilespmem:s22], [sflag:$0x2] =	stream.strided.gather [hbm4b:s9+s19], $0x4000, s20, s19, $0x38;
	[tilespmem:$0x19000] =	vst v63  }
0x24: {  	s17 =	rddreg [dreg:$0x6]  }
0x25: {  	[tilespmem:s23], [sflag:$0x3] =	stream.strided.gather [hbm4b:s17+s19], $0x4000, s20, s19, $0x38;
	[tilespmem:$0x19000] =	vst v63  }
0x26: {  	s4 =	simm.s32 $0x0;
	s18 =	rddreg [dreg:$0x7]  }
0x27: {  	[tilespmem:s24], [sflag:$0x4] =	stream.strided.gather [hbm4b:s18+s19], $0x4000, s20, s19, $0x38;
	[tilespmem:$0x19000] =	vst v63  }
.LBB2_2:
0x28: {  	_ =	swait.ge [sflag:s25], $0x4000  }
0x29: {  	p0 =	seq.s32 s4, $0x0;
	[sflag:s25] =	ssyncset.done $0x0  }
0x2a: {  	s6 =	simm.s32 @!p0 $0x5;
	[sflag:s25] =	ssyncadd.s32 $0xFFFFC000  }
0x2b: {  	_ =	swait.ge @!p0 [sflag:s6], $0x4000  }
0x2c: {  	[sflag:s6] =	ssyncset.done @!p0 $0x0  }
0x2d: {  	s18 =	simm.s32 $0x40;
	[sflag:s6] =	ssyncadd.s32 @!p0 $0xFFFFC000  }
0x2e: {  	v0 =	vld [tilespmem:s18+$0xFFFFFFC0]  }
0x2f: {  	v1 =	vld [tilespmem:s18+$0x10]  }
0x30: {  	v3 =	vld [tilespmem:s18+$0xFFFFFFE0]  }
0x31: {  	v2 =	vld [tilespmem:s18+$0x0];
	_ =	sdelay $0x1  }
0x32: {  	v6 =	vld [tilespmem:s18+$0x20]  }
0x33: {  	v7 =	vld [tilespmem:s18+$0xFFFFFFF0];
	v4 =	vshll.u32 v0, $0x2;
	v0 =	vand.u32 $0x7F, v0;
	v5 =	vshll.u32 v1, $0x2  }
0x34: {  	v1 =	vand.u32 $0x7F, v1;
	v9 =	vshll.u32 v3, $0x2;
	v4 =	vand.u32 $0xFFFFFE00, v4  }
0x35: {  	v8 =	vld [tilespmem:s18+$0xFFFFFFD0];
	v3 =	vand.u32 $0x7F, v3;
	v4 =	vor.u32 v0, v4;
	v0 =	vshll.u32 v2, $0x2  }
0x36: {  	v5 =	vand.u32 $0xFFFFFE00, v5;
	v2 =	vand.u32 $0x7F, v2;
	v0 =	vand.u32 $0xFFFFFE00, v0  }
0x37: {  	v5 =	vor.u32 v1, v5;
	v0 =	vor.u32 v2, v0;
	v2 =	vand.u32 $0xFFFFFE00, v9;
	v9 =	vld [tilespmem:s18+$0x30]  }
0x38: {  	v11 =	vand.u32 $0x7F, v7;
	v2 =	vor.u32 v3, v2;
	v3 =	vshll.u32 v6, $0x2  }
0x39: {  	v1 =	vand.u32 $0x7F, v6;
	v13 =	vor.u32 $0x80, v4;
	v3 =	vand.u32 $0xFFFFFE00, v3  }
0x3a: {  	v6 =	vshll.u32 v7, $0x2;
	v10 =	vld.idx.msk [tilespmem:v4+s21+$0x0], $0xffff;
	v1 =	vor.u32 v1, v3;
	v3 =	vshll.u32 v8, $0x2  }
0x3b: {  	v6 =	vand.u32 $0xFFFFFE00, v6;
	v8 =	vand.u32 $0x7F, v8;
	v3 =	vand.u32 $0xFFFFFE00, v3  }
0x3c: {  	v6 =	vor.u32 v11, v6;
	v17 =	vld.idx.msk [tilespmem:v5+s21+$0x0], $0xffff;
	v7 =	vor.u32 v8, v3;
	v3 =	vshll.u32 v9, $0x2  }
0x3d: {  	v12 =	vld.idx.msk [tilespmem:v0+s21+$0x0], $0xffff;
	v8 =	vand.u32 $0x7F, v9;
	v3 =	vand.u32 $0xFFFFFE00, v3  }
0x3e: {  	s9 =	simm.s32 $0x11100;
	v11 =	vld.idx.msk [tilespmem:v2+s21+$0x0], $0xffff;
	v3 =	vor.u32 v8, v3  }
0x3f: {  	v20 =	vor.u32 $0x80, v0;
	[tilespmem:s9+$0xFFFFFF00] =	vst v10;
	v9 =	vld.idx.msk [tilespmem:v1+s21+$0x0], $0xffff  }
0x40: {  	v18 =	vld.idx.msk [tilespmem:v13+s21+$0x0], $0xffff;
	v13 =	vor.u32 $0x80, v5  }
0x41: {  	s7 =	sshll.u32 s4, $0xD;
	s17 =	simm.s32 $0x0;
	v15 =	vor.u32 $0x80, v2;
	v16 =	vld.idx.msk [tilespmem:v6+s21+$0x0], $0xffff  }
0x42: {  	s8 =	sor.u32 s5, s7;
	s6 =	simm.s32 $0xC0;
	s18 =	simm.s32 $0x11100;
	v14 =	vor.u32 $0x80, v7;
	v8 =	vor.u32 $0x80, v3;
	v10 =	vor.u32 $0x80, v1;
	v19 =	vld.idx.msk [tilespmem:v7+s21+$0x0], $0xffff  }
.LBB2_3:
0x43: {  	s17 =	sadd.s32 $0x8, s17;
	[tilespmem:s9+$0xFFFFFF40] =	vst v12;
	v12 =	vld.idx.msk [tilespmem:v3+s21+$0x0], $0xffff;
	s18 =	sadd.s32 $0x200, s18  }
0x44: {  	p1 =	slt.u32 s17, $0xF8;
	v20 =	vld.idx.msk [tilespmem:v20+s21+$0x0], $0xffff;
	[tilespmem:s9+$0xFFFFFF50] =	vst v17  }
0x45: {  	v17 =	vor.u32 $0x100, v4;
	v13 =	vld.idx.msk [tilespmem:v13+s21+$0x0], $0xffff  }
0x46: {  	v21 =	vld [tilespmem:s6+$0x10];
	[tilespmem:s9+$0xFFFFFF80] =	vst v18  }
0x47: {  	v18 =	vld [tilespmem:s6+$0xFFFFFFE0];
	[tilespmem:s9+$0xFFFFFF10] =	vst v19;
	v19 =	vor.u32 $0x80, v6  }
0x48: {  	v14 =	vld.idx.msk [tilespmem:v14+s21+$0x0], $0xffff;
	[tilespmem:s9+$0xFFFFFF20] =	vst v11  }
0x49: {  	v11 =	vld.idx.msk [tilespmem:v15+s21+$0x0], $0xffff;
	[tilespmem:s9+$0xFFFFFF70] =	vst v12  }
0x4a: {  	v12 =	vld.idx.msk [tilespmem:v17+s21+$0x0], $0xffff;
	[tilespmem:s9+$0xFFFFFFC0] =	vst v20  }
0x4b: {  	v15 =	vld [tilespmem:s6+$0xFFFFFFF0];
	[tilespmem:s9+$0xFFFFFF30] =	vst v16  }
0x4c: {  	v16 =	vld.idx.msk [tilespmem:v19+s21+$0x0], $0xffff;
	[tilespmem:s9+$0xFFFFFFD0] =	vst v13  }
0x4d: {  	v13 =	vld [tilespmem:s6+$0xFFFFFFC0];
	[tilespmem:s9+$0xFFFFFF60] =	vst v9  }
0x4e: {  	[tilespmem:s9+$0xFFFFFF90] =	vst v14;
	v8 =	vld.idx.msk [tilespmem:v8+s21+$0x0], $0xffff  }
0x4f: {  	v9 =	vld [tilespmem:s6+$0x20];
	[tilespmem:s9+$0xFFFFFFA0] =	vst v11;
	v11 =	vor.u32 $0x100, v5  }
0x50: {  	v14 =	vld [tilespmem:s6+$0x30];
	[tilespmem:s9+$0x0] =	vst v12;
	v12 =	vor.u32 $0x100, v7  }
0x51: {  	v19 =	vor.u32 $0x100, v6;
	v17 =	vld [tilespmem:s6+$0xFFFFFFD0]  }
0x52: {  	v20 =	vor.u32 $0x180, v4;
	[tilespmem:s9+$0xFFFFFFB0] =	vst v16;
	v10 =	vld.idx.msk [tilespmem:v10+s21+$0x0], $0xffff  }
0x53: {  	v22 =	vor.u32 $0x100, v2;
	v23 =	vor.u32 $0x180, v5;
	v5 =	vor.u32 $0x100, v1;
	v16 =	vld [tilespmem:s6+$0x0]  }
0x54: {  	v24 =	vor.u32 $0x100, v0;
	v4 =	vshll.u32 v13, $0x2;
	v11 =	vld.idx.msk [tilespmem:v11+s21+$0x0], $0xffff;
	[tilespmem:s9+$0xFFFFFFF0] =	vst v8;
	v8 =	vor.u32 $0x100, v3  }
0x55: {  	v4 =	vand.u32 $0xFFFFFE00, v4;
	v25 =	vand.u32 $0x7F, v14;
	v14 =	vshll.u32 v14, $0x2;
	v12 =	vld.idx.msk [tilespmem:v12+s21+$0x0], $0xffff  }
0x56: {  	v6 =	vor.u32 $0x180, v6;
	v13 =	vand.u32 $0x7F, v13;
	v14 =	vand.u32 $0xFFFFFE00, v14;
	v19 =	vld.idx.msk [tilespmem:v19+s21+$0x0], $0xffff  }
0x57: {  	v7 =	vor.u32 $0x180, v7;
	v4 =	vor.u32 v13, v4;
	v13 =	vshll.u32 v21, $0x2;
	v20 =	vld.idx.msk [tilespmem:v20+s21+$0x0], $0xffff  }
0x58: {  	v26 =	vshll.u32 v15, $0x2;
	v14 =	vor.u32 v25, v14;
	v27 =	vshll.u32 v16, $0x2;
	v22 =	vld.idx.msk [tilespmem:v22+s21+$0x0], $0xffff;
	[tilespmem:s9+$0xFFFFFFE0] =	vst v10  }
0x59: {  	v21 =	vand.u32 $0x7F, v21;
	v10 =	vand.u32 $0xFFFFFE00, v26;
	v16 =	vand.u32 $0x7F, v16;
	v25 =	vld.idx.msk [tilespmem:v5+s21+$0x0], $0xffff  }
0x5a: {  	v13 =	vand.u32 $0xFFFFFE00, v13;
	v26 =	vor.u32 $0x180, v2;
	v5 =	vand.u32 $0xFFFFFE00, v27;
	[tilespmem:s9+$0x50] =	vst v11;
	v8 =	vld.idx.msk [tilespmem:v8+s21+$0x0], $0xffff  }
0x5b: {  	v2 =	vshll.u32 v18, $0x2;
	v11 =	vor.u32 v16, v5;
	v5 =	vor.u32 v21, v13;
	[tilespmem:s9+$0x10] =	vst v12;
	v12 =	vld.idx.msk [tilespmem:v24+s21+$0x0], $0xffff  }
0x5c: {  	v2 =	vand.u32 $0xFFFFFE00, v2;
	v13 =	vor.u32 $0x180, v3;
	v3 =	vmov v14;
	v7 =	vld.idx.msk [tilespmem:v7+s21+$0x0], $0xffff;
	[tilespmem:s9+$0x30] =	vst v19  }
0x5d: {  	v14 =	vand.u32 $0x7F, v18;
	v18 =	vor.u32 $0x180, v0;
	v0 =	vmovc v11;
	v19 =	vor.u32 $0x180, v1;
	[tilespmem:s9+$0x80] =	vst v20;
	v16 =	vld.idx.msk [tilespmem:v6+s21+$0x0], $0xffff  }
0x5e: {  	v21 =	vor.u32 $0x80, v4;
	v2 =	vor.u32 v14, v2;
	v1 =	vand.u32 $0x7F, v15;
	[tilespmem:s9+$0x20] =	vst v22;
	v11 =	vld.idx.msk [tilespmem:v23+s21+$0x0], $0xffff  }
0x5f: {  	v6 =	vor.u32 v1, v10;
	v1 =	vshll.u32 v9, $0x2;
	v10 =	vld.idx.msk [tilespmem:v26+s21+$0x0], $0xffff;
	[tilespmem:s9+$0x60] =	vst v25  }
0x60: {  	v9 =	vand.u32 $0x7F, v9;
	v1 =	vand.u32 $0xFFFFFE00, v1;
	v15 =	vld.idx.msk [tilespmem:v4+s21+$0x0], $0xffff;
	[tilespmem:s9+$0x70] =	vst v8  }
0x61: {  	v1 =	vor.u32 v9, v1;
	[tilespmem:s9+$0x40] =	vst v12;
	v22 =	vld.idx.msk [tilespmem:v13+s21+$0x0], $0xffff  }
0x62: {  	v8 =	vshll.u32 v17, $0x2;
	v13 =	vor.u32 $0x80, v5;
	v12 =	vld.idx.msk [tilespmem:v0+s21+$0x0], $0xffff;
	[tilespmem:s9+$0x90] =	vst v7  }
0x63: {  	v9 =	vand.u32 $0xFFFFFE00, v8;
	v8 =	vor.u32 $0x80, v3;
	v7 =	vand.u32 $0x7F, v17;
	[tilespmem:s9+$0xB0] =	vst v16;
	v16 =	vld.idx.msk [tilespmem:v18+s21+$0x0], $0xffff  }
0x64: {  	v7 =	vor.u32 v7, v9;
	[tilespmem:s9+$0xD0] =	vst v11;
	v23 =	vld.idx.msk [tilespmem:v19+s21+$0x0], $0xffff  }
0x65: {  	v14 =	vor.u32 $0x80, v7;
	v11 =	vld.idx.msk [tilespmem:v2+s21+$0x0], $0xffff  }
.Ltmp2:
0x66: {  	[tilespmem:s18+$0xFFFFFF00] =	vst v15;
	v15 =	vor.u32 $0x80, v2;
	v17 =	vld.idx.msk [tilespmem:v5+s21+$0x0], $0xffff;
	(pc) =	sbr.rel @p1 .LBB2_3-.Ltmp2, $4  }
0x67: {  	v20 =	vor.u32 $0x80, v0;
	v9 =	vld.idx.msk [tilespmem:v1+s21+$0x0], $0xffff;
	[tilespmem:s9+$0xF0] =	vst v22  }
0x68: {  	v18 =	vld.idx.msk [tilespmem:v21+s21+$0x0], $0xffff;
	[tilespmem:s9+$0xA0] =	vst v10  }
0x69: {  	v19 =	vld.idx.msk [tilespmem:v7+s21+$0x0], $0xffff;
	[tilespmem:s9+$0xC0] =	vst v16  }
0x6a: {  	s6 =	sadd.s32 $0x80, s6;
	v10 =	vor.u32 $0x80, v1;
	v16 =	vld.idx.msk [tilespmem:v6+s21+$0x0], $0xffff;
	[tilespmem:s9+$0xE0] =	vst v23;
	s9 =	smov.u32 s18  }
0x6b: {  	_ =	sdelay $0x1  }
0x6c: {  	[tilespmem:s9+$0xFFFFFF40] =	vst v12  }
0x6d: {  	[tilespmem:s9+$0xFFFFFF50] =	vst v17  }
0x6e: {  	v34 =	vld.idx.msk [tilespmem:v3+s21+$0x0], $0xffff;
	[tilespmem:s9+$0xFFFFFF20] =	vst v11  }
0x6f: {  	v36 =	vor.u32 $0x80, v6;
	v35 =	vld.idx.msk [tilespmem:v20+s21+$0x0], $0xffff;
	[tilespmem:s9+$0xFFFFFF60] =	vst v9  }
0x70: {  	v37 =	vor.u32 $0x100, v4;
	v13 =	vld.idx.msk [tilespmem:v13+s21+$0x0], $0xffff;
	[tilespmem:s9+$0xFFFFFF80] =	vst v18  }
0x71: {  	v39 =	vld.idx.msk [tilespmem:v15+s21+$0x0], $0xffff;
	[tilespmem:s9+$0xFFFFFF10] =	vst v19  }
0x72: {  	v40 =	vor.u32 $0x100, v5;
	v9 =	vld.idx.msk [tilespmem:v10+s21+$0x0], $0xffff;
	[tilespmem:s9+$0xFFFFFF30] =	vst v16  }
0x73: {  	v46 =	vor.u32 $0x100, v2;
	v38 =	vld.idx.msk [tilespmem:v14+s21+$0x0], $0xffff;
	[tilespmem:s9+$0xFFFFFF70] =	vst v34  }
0x74: {  	v51 =	vor.u32 $0x100, v0;
	v41 =	vld.idx.msk [tilespmem:v36+s21+$0x0], $0xffff;
	[tilespmem:s9+$0xFFFFFFC0] =	vst v35  }
0x75: {  	v49 =	vor.u32 $0x100, v1;
	v43 =	vld.idx.msk [tilespmem:v37+s21+$0x0], $0xffff;
	[tilespmem:s9+$0xFFFFFFD0] =	vst v13  }
0x76: {  	v42 =	vor.u32 $0x100, v7;
	v8 =	vld.idx.msk [tilespmem:v8+s21+$0x0], $0xffff;
	[tilespmem:s9+$0xFFFFFFA0] =	vst v39  }
0x77: {  	v44 =	vor.u32 $0x100, v6;
	v47 =	vld.idx.msk [tilespmem:v40+s21+$0x0], $0xffff;
	[tilespmem:s9+$0xFFFFFFE0] =	vst v9  }
0x78: {  	v45 =	vor.u32 $0x180, v4;
	v54 =	vld.idx.msk [tilespmem:v46+s21+$0x0], $0xffff;
	[tilespmem:s9+$0xFFFFFF90] =	vst v38  }
0x79: {  	v48 =	vor.u32 $0x100, v3;
	v60 =	vld.idx.msk [tilespmem:v51+s21+$0x0], $0xffff;
	[tilespmem:s9+$0xFFFFFFB0] =	vst v41  }
0x7a: {  	v55 =	vor.u32 $0x180, v5;
	v57 =	vld.idx.msk [tilespmem:v49+s21+$0x0], $0xffff;
	[tilespmem:s9+$0x0] =	vst v43  }
0x7b: {  	v59 =	vor.u32 $0x180, v2;
	v50 =	vld.idx.msk [tilespmem:v42+s21+$0x0], $0xffff;
	[tilespmem:s9+$0xFFFFFFF0] =	vst v8  }
0x7c: {  	v61 =	vor.u32 $0x180, v0;
	v13 =	vld.idx.msk [tilespmem:v44+s21+$0x0], $0xffff;
	[tilespmem:s9+$0x50] =	vst v47  }
0x7d: {  	v63 =	vor.u32 $0x180, v1;
	v4 =	vld.idx.msk [tilespmem:v45+s21+$0x0], $0xffff;
	[tilespmem:s9+$0x20] =	vst v54  }
0x7e: {  	v52 =	vor.u32 $0x180, v7;
	v56 =	vld.idx.msk [tilespmem:v48+s21+$0x0], $0xffff;
	[tilespmem:s9+$0x40] =	vst v60  }
0x7f: {  	v53 =	vor.u32 $0x180, v6;
	v5 =	vld.idx.msk [tilespmem:v55+s21+$0x0], $0xffff;
	[tilespmem:s9+$0x60] =	vst v57  }
0x80: {  	v58 =	vor.u32 $0x180, v3;
	v2 =	vld.idx.msk [tilespmem:v59+s21+$0x0], $0xffff;
	[tilespmem:s9+$0x10] =	vst v50  }
0x81: {  	v0 =	vld.idx.msk [tilespmem:v61+s21+$0x0], $0xffff;
	[tilespmem:s9+$0x30] =	vst v13  }
0x82: {  	v1 =	vld.idx.msk [tilespmem:v63+s21+$0x0], $0xffff;
	[tilespmem:s9+$0x80] =	vst v4  }
0x83: {  	v7 =	vld.idx.msk [tilespmem:v52+s21+$0x0], $0xffff;
	[tilespmem:s9+$0x70] =	vst v56  }
0x84: {  	v62 =	vld.idx.msk [tilespmem:v53+s21+$0x0], $0xffff;
	[tilespmem:s9+$0xD0] =	vst v5  }
0x85: {  	v3 =	vld.idx.msk [tilespmem:v58+s21+$0x0], $0xffff;
	[tilespmem:s9+$0xA0] =	vst v2  }
0x86: {  	p1 =	sne.s32 s4, $0xF;
	[tilespmem:s9+$0xC0] =	vst v0  }
.Ltmp3:
0x87: {  	[tilespmem:s9+$0xE0] =	vst v1;
	(pc) =	sbr.rel @p1 .LBB2_6-.Ltmp3, $4  }
0x88: {  	[tilespmem:s9+$0x90] =	vst v7  }
0x89: {  	[tilespmem:s9+$0xB0] =	vst v62  }
0x8a: {  	s6 =	sadd.s32 s3, s8;
	[tilespmem:s9+$0xF0] =	vst v3  }
0x8b: {  	[hbm4b:s6+s19] =	stream.strided.scatter [tilespmem:s26], [sflag:$0x5], $0x4000, s20, s19, $0x38;
	[tilespmem:$0x19000] =	vst v63  }
.Ltmp4:
0x8c: {  	(pc) =	sbr.rel .LBB2_7-.Ltmp4, $4  }
0x8d: {  	_ = 	snop  }
0x8e: {  	_ =	swait.ge [sflag:s28], $0x4000  }
0x8f: {  	[sflag:s28] =	ssyncset.done $0x0  }
0x90: {  	[sflag:s28] =	ssyncadd.s32 $0xFFFFC000  }
.LBB2_6:
.Ltmp5:
0x91: {  	s6 =	sadd.s32 s7, s10;
	(pc) =	sbr.rel @p0 .LBB2_8-.Ltmp5, $4  }
0x92: {  	[tilespmem:s21], [sflag:$0x1] =	stream.strided.gather [hbm4b:s6+s19], $0x4000, s20, s19, $0x38;
	[tilespmem:$0x19000] =	vst v63  }
0x93: {  	_ =	swait.ge [sflag:s28], $0x4000  }
0x94: {  	[sflag:s28] =	ssyncset.done $0x0  }
0x95: {  	[sflag:s28] =	ssyncadd.s32 $0xFFFFC000  }
.LBB2_7:
0x96: {  	_ =	swait.ge [sflag:s29], $0x4000  }
0x97: {  	[sflag:s29] =	ssyncset.done $0x0  }
0x98: {  	[sflag:s29] =	ssyncadd.s32 $0xFFFFC000  }
.LBB2_8:
0x99: {  	s6 =	simm.s32 $0x40  }
0x9a: {  	v0 =	vld [tilespmem:s6+$0xFFFFFFC0]  }
0x9b: {  	v1 =	vld [tilespmem:s6+$0x10]  }
0x9c: {  	v3 =	vld [tilespmem:s6+$0xFFFFFFE0]  }
0x9d: {  	v2 =	vld [tilespmem:s6+$0x0];
	_ =	sdelay $0x1  }
0x9e: {  	v6 =	vld [tilespmem:s6+$0x20]  }
0x9f: {  	v7 =	vld [tilespmem:s6+$0xFFFFFFF0];
	v4 =	vshll.u32 v0, $0x2;
	v0 =	vand.u32 $0x7F, v0;
	v5 =	vshll.u32 v1, $0x2  }
0xa0: {  	v1 =	vand.u32 $0x7F, v1;
	v9 =	vshll.u32 v3, $0x2;
	v4 =	vand.u32 $0xFFFFFE00, v4  }
0xa1: {  	v8 =	vld [tilespmem:s6+$0xFFFFFFD0];
	v3 =	vand.u32 $0x7F, v3;
	v4 =	vor.u32 v0, v4;
	v0 =	vshll.u32 v2, $0x2  }
0xa2: {  	v5 =	vand.u32 $0xFFFFFE00, v5;
	v2 =	vand.u32 $0x7F, v2;
	v0 =	vand.u32 $0xFFFFFE00, v0  }
0xa3: {  	v5 =	vor.u32 v1, v5;
	v0 =	vor.u32 v2, v0;
	v2 =	vand.u32 $0xFFFFFE00, v9;
	v9 =	vld [tilespmem:s6+$0x30]  }
0xa4: {  	v11 =	vand.u32 $0x7F, v7;
	v2 =	vor.u32 v3, v2;
	v3 =	vshll.u32 v6, $0x2  }
0xa5: {  	v1 =	vand.u32 $0x7F, v6;
	v12 =	vor.u32 $0x80, v4;
	v3 =	vand.u32 $0xFFFFFE00, v3  }
0xa6: {  	v6 =	vshll.u32 v7, $0x2;
	v10 =	vld.idx.msk [tilespmem:v4+s22+$0x0], $0xffff;
	v1 =	vor.u32 v1, v3;
	v3 =	vshll.u32 v8, $0x2  }
0xa7: {  	v6 =	vand.u32 $0xFFFFFE00, v6;
	v8 =	vand.u32 $0x7F, v8;
	v3 =	vand.u32 $0xFFFFFE00, v3  }
0xa8: {  	v6 =	vor.u32 v11, v6;
	v17 =	vld.idx.msk [tilespmem:v5+s22+$0x0], $0xffff;
	v7 =	vor.u32 v8, v3;
	v3 =	vshll.u32 v9, $0x2  }
0xa9: {  	v13 =	vld.idx.msk [tilespmem:v0+s22+$0x0], $0xffff;
	v8 =	vand.u32 $0x7F, v9;
	v3 =	vand.u32 $0xFFFFFE00, v3  }
0xaa: {  	s9 =	simm.s32 $0x15100;
	v11 =	vld.idx.msk [tilespmem:v2+s22+$0x0], $0xffff;
	v3 =	vor.u32 v8, v3  }
0xab: {  	v20 =	vor.u32 $0x80, v0;
	[tilespmem:s9+$0xFFFFFF00] =	vst v10;
	v10 =	vld.idx.msk [tilespmem:v1+s22+$0x0], $0xffff  }
0xac: {  	v18 =	vld.idx.msk [tilespmem:v12+s22+$0x0], $0xffff;
	v12 =	vor.u32 $0x80, v5  }
0xad: {  	v15 =	vor.u32 $0x80, v2;
	v16 =	vld.idx.msk [tilespmem:v6+s22+$0x0], $0xffff  }
0xae: {  	s17 =	simm.s32 $0x0;
	s18 =	simm.s32 $0x15100;
	s6 =	simm.s32 $0xC0;
	v9 =	vor.u32 $0x80, v1;
	v14 =	vor.u32 $0x80, v7;
	v8 =	vor.u32 $0x80, v3;
	v19 =	vld.idx.msk [tilespmem:v7+s22+$0x0], $0xffff  }
.LBB2_9:
0xaf: {  	s17 =	sadd.s32 $0x8, s17;
	[tilespmem:s9+$0xFFFFFF40] =	vst v13;
	v13 =	vld.idx.msk [tilespmem:v3+s22+$0x0], $0xffff;
	s18 =	sadd.s32 $0x200, s18  }
0xb0: {  	p0 =	slt.u32 s17, $0xF8;
	v20 =	vld.idx.msk [tilespmem:v20+s22+$0x0], $0xffff;
	[tilespmem:s9+$0xFFFFFF50] =	vst v17  }
0xb1: {  	v17 =	vor.u32 $0x100, v4;
	v12 =	vld.idx.msk [tilespmem:v12+s22+$0x0], $0xffff  }
0xb2: {  	v21 =	vld [tilespmem:s6+$0x10];
	[tilespmem:s9+$0xFFFFFF80] =	vst v18  }
0xb3: {  	v18 =	vld [tilespmem:s6+$0xFFFFFFE0];
	[tilespmem:s9+$0xFFFFFF10] =	vst v19;
	v19 =	vor.u32 $0x80, v6  }
0xb4: {  	v14 =	vld.idx.msk [tilespmem:v14+s22+$0x0], $0xffff;
	[tilespmem:s9+$0xFFFFFF20] =	vst v11  }
0xb5: {  	v11 =	vld.idx.msk [tilespmem:v15+s22+$0x0], $0xffff;
	[tilespmem:s9+$0xFFFFFF70] =	vst v13  }
0xb6: {  	v13 =	vld.idx.msk [tilespmem:v17+s22+$0x0], $0xffff;
	[tilespmem:s9+$0xFFFFFFC0] =	vst v20  }
0xb7: {  	v15 =	vld [tilespmem:s6+$0xFFFFFFF0];
	[tilespmem:s9+$0xFFFFFF30] =	vst v16  }
0xb8: {  	v16 =	vld.idx.msk [tilespmem:v19+s22+$0x0], $0xffff;
	[tilespmem:s9+$0xFFFFFFD0] =	vst v12  }
0xb9: {  	v12 =	vld [tilespmem:s6+$0xFFFFFFC0];
	[tilespmem:s9+$0xFFFFFF60] =	vst v10  }
0xba: {  	[tilespmem:s9+$0xFFFFFF90] =	vst v14;
	v8 =	vld.idx.msk [tilespmem:v8+s22+$0x0], $0xffff  }
0xbb: {  	v10 =	vld [tilespmem:s6+$0x20];
	[tilespmem:s9+$0xFFFFFFA0] =	vst v11;
	v11 =	vor.u32 $0x100, v5  }
0xbc: {  	v14 =	vld [tilespmem:s6+$0x30];
	[tilespmem:s9+$0x0] =	vst v13;
	v13 =	vor.u32 $0x100, v7  }
0xbd: {  	v19 =	vor.u32 $0x100, v6;
	v17 =	vld [tilespmem:s6+$0xFFFFFFD0]  }
0xbe: {  	v20 =	vor.u32 $0x180, v4;
	[tilespmem:s9+$0xFFFFFFB0] =	vst v16;
	v9 =	vld.idx.msk [tilespmem:v9+s22+$0x0], $0xffff  }
0xbf: {  	v22 =	vor.u32 $0x100, v2;
	v23 =	vor.u32 $0x180, v5;
	v5 =	vor.u32 $0x100, v1;
	v16 =	vld [tilespmem:s6+$0x0]  }
0xc0: {  	v24 =	vor.u32 $0x100, v0;
	v4 =	vshll.u32 v12, $0x2;
	v11 =	vld.idx.msk [tilespmem:v11+s22+$0x0], $0xffff;
	[tilespmem:s9+$0xFFFFFFF0] =	vst v8;
	v8 =	vor.u32 $0x100, v3  }
0xc1: {  	v4 =	vand.u32 $0xFFFFFE00, v4;
	v25 =	vand.u32 $0x7F, v14;
	v14 =	vshll.u32 v14, $0x2;
	v13 =	vld.idx.msk [tilespmem:v13+s22+$0x0], $0xffff  }
0xc2: {  	v6 =	vor.u32 $0x180, v6;
	v12 =	vand.u32 $0x7F, v12;
	v14 =	vand.u32 $0xFFFFFE00, v14;
	v19 =	vld.idx.msk [tilespmem:v19+s22+$0x0], $0xffff  }
0xc3: {  	v7 =	vor.u32 $0x180, v7;
	v4 =	vor.u32 v12, v4;
	v12 =	vshll.u32 v21, $0x2;
	v20 =	vld.idx.msk [tilespmem:v20+s22+$0x0], $0xffff  }
0xc4: {  	v26 =	vshll.u32 v15, $0x2;
	v14 =	vor.u32 v25, v14;
	v27 =	vshll.u32 v16, $0x2;
	v22 =	vld.idx.msk [tilespmem:v22+s22+$0x0], $0xffff;
	[tilespmem:s9+$0xFFFFFFE0] =	vst v9  }
0xc5: {  	v21 =	vand.u32 $0x7F, v21;
	v9 =	vand.u32 $0xFFFFFE00, v26;
	v16 =	vand.u32 $0x7F, v16;
	v25 =	vld.idx.msk [tilespmem:v5+s22+$0x0], $0xffff  }
0xc6: {  	v12 =	vand.u32 $0xFFFFFE00, v12;
	v26 =	vor.u32 $0x180, v2;
	v5 =	vand.u32 $0xFFFFFE00, v27;
	[tilespmem:s9+$0x50] =	vst v11;
	v8 =	vld.idx.msk [tilespmem:v8+s22+$0x0], $0xffff  }
0xc7: {  	v2 =	vshll.u32 v18, $0x2;
	v11 =	vor.u32 v16, v5;
	v5 =	vor.u32 v21, v12;
	[tilespmem:s9+$0x10] =	vst v13;
	v12 =	vld.idx.msk [tilespmem:v24+s22+$0x0], $0xffff  }
0xc8: {  	v2 =	vand.u32 $0xFFFFFE00, v2;
	v13 =	vor.u32 $0x180, v3;
	v3 =	vmov v14;
	v7 =	vld.idx.msk [tilespmem:v7+s22+$0x0], $0xffff;
	[tilespmem:s9+$0x30] =	vst v19  }
0xc9: {  	v14 =	vand.u32 $0x7F, v18;
	v18 =	vor.u32 $0x180, v0;
	v0 =	vmovc v11;
	v19 =	vor.u32 $0x180, v1;
	[tilespmem:s9+$0x80] =	vst v20;
	v16 =	vld.idx.msk [tilespmem:v6+s22+$0x0], $0xffff  }
0xca: {  	v21 =	vor.u32 $0x80, v4;
	v2 =	vor.u32 v14, v2;
	v1 =	vand.u32 $0x7F, v15;
	[tilespmem:s9+$0x20] =	vst v22;
	v11 =	vld.idx.msk [tilespmem:v23+s22+$0x0], $0xffff  }
0xcb: {  	v6 =	vor.u32 v1, v9;
	v1 =	vshll.u32 v10, $0x2;
	v9 =	vld.idx.msk [tilespmem:v26+s22+$0x0], $0xffff;
	[tilespmem:s9+$0x60] =	vst v25  }
0xcc: {  	v10 =	vand.u32 $0x7F, v10;
	v1 =	vand.u32 $0xFFFFFE00, v1;
	v15 =	vld.idx.msk [tilespmem:v4+s22+$0x0], $0xffff;
	[tilespmem:s9+$0x70] =	vst v8  }
0xcd: {  	v1 =	vor.u32 v10, v1;
	[tilespmem:s9+$0x40] =	vst v12;
	v22 =	vld.idx.msk [tilespmem:v13+s22+$0x0], $0xffff  }
0xce: {  	v8 =	vshll.u32 v17, $0x2;
	v12 =	vor.u32 $0x80, v5;
	v13 =	vld.idx.msk [tilespmem:v0+s22+$0x0], $0xffff;
	[tilespmem:s9+$0x90] =	vst v7  }
0xcf: {  	v10 =	vand.u32 $0xFFFFFE00, v8;
	v8 =	vor.u32 $0x80, v3;
	v7 =	vand.u32 $0x7F, v17;
	[tilespmem:s9+$0xB0] =	vst v16;
	v16 =	vld.idx.msk [tilespmem:v18+s22+$0x0], $0xffff  }
0xd0: {  	v7 =	vor.u32 v7, v10;
	[tilespmem:s9+$0xD0] =	vst v11;
	v23 =	vld.idx.msk [tilespmem:v19+s22+$0x0], $0xffff  }
0xd1: {  	v14 =	vor.u32 $0x80, v7;
	v11 =	vld.idx.msk [tilespmem:v2+s22+$0x0], $0xffff  }
.Ltmp6:
0xd2: {  	[tilespmem:s18+$0xFFFFFF00] =	vst v15;
	v15 =	vor.u32 $0x80, v2;
	v17 =	vld.idx.msk [tilespmem:v5+s22+$0x0], $0xffff;
	(pc) =	sbr.rel @p0 .LBB2_9-.Ltmp6, $4  }
0xd3: {  	v20 =	vor.u32 $0x80, v0;
	v10 =	vld.idx.msk [tilespmem:v1+s22+$0x0], $0xffff;
	[tilespmem:s9+$0xF0] =	vst v22  }
0xd4: {  	v18 =	vld.idx.msk [tilespmem:v21+s22+$0x0], $0xffff;
	[tilespmem:s9+$0xA0] =	vst v9  }
0xd5: {  	v19 =	vld.idx.msk [tilespmem:v7+s22+$0x0], $0xffff;
	[tilespmem:s9+$0xC0] =	vst v16  }
0xd6: {  	s6 =	sadd.s32 $0x80, s6;
	v9 =	vor.u32 $0x80, v1;
	v16 =	vld.idx.msk [tilespmem:v6+s22+$0x0], $0xffff;
	[tilespmem:s9+$0xE0] =	vst v23;
	s9 =	smov.u32 s18  }
0xd7: {  	_ =	sdelay $0x2  }
0xd8: {  	[tilespmem:s9+$0xFFFFFF40] =	vst v13  }
0xd9: {  	v13 =	vld.idx.msk [tilespmem:v3+s22+$0x0], $0xffff;
	[tilespmem:s9+$0xFFFFFF50] =	vst v17  }
0xda: {  	[tilespmem:s9+$0xFFFFFF20] =	vst v11;
	v17 =	vld.idx.msk [tilespmem:v20+s22+$0x0], $0xffff;
	v20 =	vor.u32 $0x100, v4  }
0xdb: {  	[tilespmem:s9+$0xFFFFFF80] =	vst v18  }
0xdc: {  	v12 =	vld.idx.msk [tilespmem:v12+s22+$0x0], $0xffff;
	v18 =	vor.u32 $0x80, v6;
	[tilespmem:s9+$0xFFFFFF10] =	vst v19  }
0xdd: {  	[tilespmem:s9+$0xFFFFFF60] =	vst v10;
	v11 =	vld.idx.msk [tilespmem:v14+s22+$0x0], $0xffff  }
0xde: {  	[tilespmem:s9+$0xFFFFFF70] =	vst v13;
	v13 =	vld.idx.msk [tilespmem:v15+s22+$0x0], $0xffff  }
0xdf: {  	v14 =	vor.u32 $0x100, v5;
	[tilespmem:s9+$0xFFFFFFC0] =	vst v17;
	v17 =	vld.idx.msk [tilespmem:v20+s22+$0x0], $0xffff  }
0xe0: {  	v10 =	vor.u32 $0x100, v2;
	[tilespmem:s9+$0xFFFFFF30] =	vst v16;
	v8 =	vld.idx.msk [tilespmem:v8+s22+$0x0], $0xffff  }
0xe1: {  	v16 =	vor.u32 $0x100, v7;
	[tilespmem:s9+$0xFFFFFFD0] =	vst v12;
	v15 =	vld.idx.msk [tilespmem:v18+s22+$0x0], $0xffff  }
0xe2: {  	v4 =	vor.u32 $0x180, v4;
	[tilespmem:s9+$0xFFFFFF90] =	vst v11  }
0xe3: {  	v9 =	vld.idx.msk [tilespmem:v9+s22+$0x0], $0xffff;
	v12 =	vor.u32 $0x100, v6;
	[tilespmem:s9+$0xFFFFFFA0] =	vst v13  }
0xe4: {  	v11 =	vld.idx.msk [tilespmem:v14+s22+$0x0], $0xffff;
	v14 =	vor.u32 $0x100, v1;
	[tilespmem:s9+$0x0] =	vst v17  }
0xe5: {  	v13 =	vor.u32 $0x100, v3;
	[tilespmem:s9+$0xFFFFFFF0] =	vst v8;
	v8 =	vld.idx.msk [tilespmem:v10+s22+$0x0], $0xffff  }
0xe6: {  	v5 =	vor.u32 $0x180, v5;
	[tilespmem:s9+$0xFFFFFFB0] =	vst v15;
	v15 =	vld.idx.msk [tilespmem:v16+s22+$0x0], $0xffff  }
0xe7: {  	v16 =	vor.u32 $0x100, v0;
	v4 =	vld.idx.msk [tilespmem:v4+s22+$0x0], $0xffff  }
0xe8: {  	v2 =	vor.u32 $0x180, v2;
	[tilespmem:s9+$0xFFFFFFE0] =	vst v9;
	v12 =	vld.idx.msk [tilespmem:v12+s22+$0x0], $0xffff  }
0xe9: {  	v7 =	vor.u32 $0x180, v7;
	[tilespmem:s9+$0x50] =	vst v11;
	v10 =	vld.idx.msk [tilespmem:v14+s22+$0x0], $0xffff  }
0xea: {  	v6 =	vor.u32 $0x180, v6;
	v9 =	vld.idx.msk [tilespmem:v13+s22+$0x0], $0xffff;
	[tilespmem:s9+$0x20] =	vst v8  }
0xeb: {  	v1 =	vor.u32 $0x180, v1;
	v5 =	vld.idx.msk [tilespmem:v5+s22+$0x0], $0xffff;
	[tilespmem:s9+$0x10] =	vst v15  }
0xec: {  	v3 =	vor.u32 $0x180, v3;
	v11 =	vld.idx.msk [tilespmem:v16+s22+$0x0], $0xffff;
	[tilespmem:s9+$0x80] =	vst v4  }
0xed: {  	v0 =	vor.u32 $0x180, v0;
	v2 =	vld.idx.msk [tilespmem:v2+s22+$0x0], $0xffff;
	[tilespmem:s9+$0x30] =	vst v12  }
0xee: {  	v7 =	vld.idx.msk [tilespmem:v7+s22+$0x0], $0xffff;
	[tilespmem:s9+$0x60] =	vst v10  }
0xef: {  	v4 =	vld.idx.msk [tilespmem:v6+s22+$0x0], $0xffff;
	[tilespmem:s9+$0x70] =	vst v9  }
0xf0: {  	v1 =	vld.idx.msk [tilespmem:v1+s22+$0x0], $0xffff;
	[tilespmem:s9+$0xD0] =	vst v5  }
0xf1: {  	v3 =	vld.idx.msk [tilespmem:v3+s22+$0x0], $0xffff;
	[tilespmem:s9+$0x40] =	vst v11  }
0xf2: {  	[tilespmem:s9+$0xA0] =	vst v2;
	v0 =	vld.idx.msk [tilespmem:v0+s22+$0x0], $0xffff  }
0xf3: {  	[tilespmem:s9+$0x90] =	vst v7  }
0xf4: {  	[tilespmem:s9+$0xB0] =	vst v4  }
0xf5: {  	[tilespmem:s9+$0xE0] =	vst v1  }
0xf6: {  	p0 =	seq.s32 s4, $0xF;
	[tilespmem:s9+$0xF0] =	vst v3  }
0xf7: {  	s6 =	sadd.s32 s8, s11;
	s17 =	simm.s32 @!p0 $0x400;
	[tilespmem:s9+$0xC0] =	vst v0  }
0xf8: {  	[hbm4b:s6+s19] =	stream.strided.scatter [tilespmem:s30], [sflag:$0x6], $0x4000, s20, s19, $0x38;
	[tilespmem:$0x19000] =	vst v63  }
0xf9: {  	s18 =	simm.s32 @!p0 $0x5000;
	s9 =	simm.s32 @!p0 $0x200;
	s6 =	sadd.s32 @!p0 s7, s12  }
0xfa: {  	[tilespmem:s18], [sflag:$0x2] =	stream.strided.gather @!p0 [hbm4b:s6+s9], $0x4000, s17, s9, $0x38;
	[tilespmem:$0x19000] =	vst v63  }
0xfb: {  	_ =	swait.ge [sflag:s31], $0x4000  }
0xfc: {  	[sflag:s31] =	ssyncset.done $0x0  }
0xfd: {  	[sflag:s31] =	ssyncadd.s32 $0xFFFFC000  }
0xfe: {  	_ =	swait.ge [sflag:s0], $0x4000  }
0xff: {  	[sflag:s0] =	ssyncset.done $0x0  }
0x100: {  	s18 =	simm.s32 $0x40;
	[sflag:s0] =	ssyncadd.s32 $0xFFFFC000  }
0x101: {  	v0 =	vld [tilespmem:s18+$0xFFFFFFC0]  }
0x102: {  	v1 =	vld [tilespmem:s18+$0x10]  }
0x103: {  	v3 =	vld [tilespmem:s18+$0xFFFFFFE0]  }
0x104: {  	v2 =	vld [tilespmem:s18+$0x0];
	_ =	sdelay $0x1  }
0x105: {  	v6 =	vld [tilespmem:s18+$0x20]  }
0x106: {  	v7 =	vld [tilespmem:s18+$0xFFFFFFF0];
	v4 =	vshll.u32 v0, $0x2;
	v0 =	vand.u32 $0x7F, v0;
	v5 =	vshll.u32 v1, $0x2  }
0x107: {  	v1 =	vand.u32 $0x7F, v1;
	v9 =	vshll.u32 v3, $0x2;
	v4 =	vand.u32 $0xFFFFFE00, v4  }
0x108: {  	v8 =	vld [tilespmem:s18+$0xFFFFFFD0];
	v3 =	vand.u32 $0x7F, v3;
	v4 =	vor.u32 v0, v4;
	v0 =	vshll.u32 v2, $0x2  }
0x109: {  	v5 =	vand.u32 $0xFFFFFE00, v5;
	v2 =	vand.u32 $0x7F, v2;
	v0 =	vand.u32 $0xFFFFFE00, v0  }
0x10a: {  	v5 =	vor.u32 v1, v5;
	v0 =	vor.u32 v2, v0;
	v2 =	vand.u32 $0xFFFFFE00, v9;
	v9 =	vld [tilespmem:s18+$0x30]  }
0x10b: {  	v11 =	vand.u32 $0x7F, v7;
	v2 =	vor.u32 v3, v2;
	v3 =	vshll.u32 v6, $0x2  }
0x10c: {  	v1 =	vand.u32 $0x7F, v6;
	v12 =	vor.u32 $0x80, v4;
	v3 =	vand.u32 $0xFFFFFE00, v3  }
0x10d: {  	v6 =	vshll.u32 v7, $0x2;
	v10 =	vld.idx.msk [tilespmem:v4+s23+$0x0], $0xffff;
	v1 =	vor.u32 v1, v3;
	v3 =	vshll.u32 v8, $0x2  }
0x10e: {  	v6 =	vand.u32 $0xFFFFFE00, v6;
	v8 =	vand.u32 $0x7F, v8;
	v3 =	vand.u32 $0xFFFFFE00, v3  }
0x10f: {  	v6 =	vor.u32 v11, v6;
	v17 =	vld.idx.msk [tilespmem:v5+s23+$0x0], $0xffff;
	v7 =	vor.u32 v8, v3;
	v3 =	vshll.u32 v9, $0x2  }
0x110: {  	v13 =	vld.idx.msk [tilespmem:v0+s23+$0x0], $0xffff;
	v8 =	vand.u32 $0x7F, v9;
	v3 =	vand.u32 $0xFFFFFE00, v3  }
0x111: {  	s9 =	simm.s32 $0x11100;
	v11 =	vld.idx.msk [tilespmem:v2+s23+$0x0], $0xffff;
	v3 =	vor.u32 v8, v3  }
0x112: {  	v20 =	vor.u32 $0x80, v0;
	[tilespmem:s9+$0xFFFFFF00] =	vst v10;
	v10 =	vld.idx.msk [tilespmem:v1+s23+$0x0], $0xffff  }
0x113: {  	v18 =	vld.idx.msk [tilespmem:v12+s23+$0x0], $0xffff;
	v12 =	vor.u32 $0x80, v5  }
0x114: {  	v15 =	vor.u32 $0x80, v2;
	v16 =	vld.idx.msk [tilespmem:v6+s23+$0x0], $0xffff  }
0x115: {  	s17 =	simm.s32 $0x0;
	s6 =	simm.s32 $0xC0;
	s18 =	simm.s32 $0x11100;
	v9 =	vor.u32 $0x80, v1;
	v14 =	vor.u32 $0x80, v7;
	v8 =	vor.u32 $0x80, v3;
	v19 =	vld.idx.msk [tilespmem:v7+s23+$0x0], $0xffff  }
.LBB2_11:
0x116: {  	s17 =	sadd.s32 $0x8, s17;
	[tilespmem:s9+$0xFFFFFF40] =	vst v13;
	v13 =	vld.idx.msk [tilespmem:v3+s23+$0x0], $0xffff;
	s18 =	sadd.s32 $0x200, s18  }
0x117: {  	p1 =	slt.u32 s17, $0xF8;
	v20 =	vld.idx.msk [tilespmem:v20+s23+$0x0], $0xffff;
	[tilespmem:s9+$0xFFFFFF50] =	vst v17  }
0x118: {  	v17 =	vor.u32 $0x100, v4;
	v12 =	vld.idx.msk [tilespmem:v12+s23+$0x0], $0xffff  }
0x119: {  	v21 =	vld [tilespmem:s6+$0x10];
	[tilespmem:s9+$0xFFFFFF80] =	vst v18  }
0x11a: {  	v18 =	vld [tilespmem:s6+$0xFFFFFFE0];
	[tilespmem:s9+$0xFFFFFF10] =	vst v19;
	v19 =	vor.u32 $0x80, v6  }
0x11b: {  	v14 =	vld.idx.msk [tilespmem:v14+s23+$0x0], $0xffff;
	[tilespmem:s9+$0xFFFFFF20] =	vst v11  }
0x11c: {  	v11 =	vld.idx.msk [tilespmem:v15+s23+$0x0], $0xffff;
	[tilespmem:s9+$0xFFFFFF70] =	vst v13  }
0x11d: {  	v13 =	vld.idx.msk [tilespmem:v17+s23+$0x0], $0xffff;
	[tilespmem:s9+$0xFFFFFFC0] =	vst v20  }
0x11e: {  	v15 =	vld [tilespmem:s6+$0xFFFFFFF0];
	[tilespmem:s9+$0xFFFFFF30] =	vst v16  }
0x11f: {  	v16 =	vld.idx.msk [tilespmem:v19+s23+$0x0], $0xffff;
	[tilespmem:s9+$0xFFFFFFD0] =	vst v12  }
0x120: {  	v12 =	vld [tilespmem:s6+$0xFFFFFFC0];
	[tilespmem:s9+$0xFFFFFF60] =	vst v10  }
0x121: {  	[tilespmem:s9+$0xFFFFFF90] =	vst v14;
	v8 =	vld.idx.msk [tilespmem:v8+s23+$0x0], $0xffff  }
0x122: {  	v10 =	vld [tilespmem:s6+$0x20];
	[tilespmem:s9+$0xFFFFFFA0] =	vst v11;
	v11 =	vor.u32 $0x100, v5  }
0x123: {  	v14 =	vld [tilespmem:s6+$0x30];
	[tilespmem:s9+$0x0] =	vst v13;
	v13 =	vor.u32 $0x100, v7  }
0x124: {  	v19 =	vor.u32 $0x100, v6;
	v17 =	vld [tilespmem:s6+$0xFFFFFFD0]  }
0x125: {  	v20 =	vor.u32 $0x180, v4;
	[tilespmem:s9+$0xFFFFFFB0] =	vst v16;
	v9 =	vld.idx.msk [tilespmem:v9+s23+$0x0], $0xffff  }
0x126: {  	v22 =	vor.u32 $0x100, v2;
	v23 =	vor.u32 $0x180, v5;
	v5 =	vor.u32 $0x100, v1;
	v16 =	vld [tilespmem:s6+$0x0]  }
0x127: {  	v24 =	vor.u32 $0x100, v0;
	v4 =	vshll.u32 v12, $0x2;
	v11 =	vld.idx.msk [tilespmem:v11+s23+$0x0], $0xffff;
	[tilespmem:s9+$0xFFFFFFF0] =	vst v8;
	v8 =	vor.u32 $0x100, v3  }
0x128: {  	v4 =	vand.u32 $0xFFFFFE00, v4;
	v25 =	vand.u32 $0x7F, v14;
	v14 =	vshll.u32 v14, $0x2;
	v13 =	vld.idx.msk [tilespmem:v13+s23+$0x0], $0xffff  }
0x129: {  	v6 =	vor.u32 $0x180, v6;
	v12 =	vand.u32 $0x7F, v12;
	v14 =	vand.u32 $0xFFFFFE00, v14;
	v19 =	vld.idx.msk [tilespmem:v19+s23+$0x0], $0xffff  }
0x12a: {  	v7 =	vor.u32 $0x180, v7;
	v4 =	vor.u32 v12, v4;
	v12 =	vshll.u32 v21, $0x2;
	v20 =	vld.idx.msk [tilespmem:v20+s23+$0x0], $0xffff  }
0x12b: {  	v26 =	vshll.u32 v15, $0x2;
	v14 =	vor.u32 v25, v14;
	v27 =	vshll.u32 v16, $0x2;
	v22 =	vld.idx.msk [tilespmem:v22+s23+$0x0], $0xffff;
	[tilespmem:s9+$0xFFFFFFE0] =	vst v9  }
0x12c: {  	v21 =	vand.u32 $0x7F, v21;
	v9 =	vand.u32 $0xFFFFFE00, v26;
	v16 =	vand.u32 $0x7F, v16;
	v25 =	vld.idx.msk [tilespmem:v5+s23+$0x0], $0xffff  }
0x12d: {  	v12 =	vand.u32 $0xFFFFFE00, v12;
	v26 =	vor.u32 $0x180, v2;
	v5 =	vand.u32 $0xFFFFFE00, v27;
	[tilespmem:s9+$0x50] =	vst v11;
	v8 =	vld.idx.msk [tilespmem:v8+s23+$0x0], $0xffff  }
0x12e: {  	v2 =	vshll.u32 v18, $0x2;
	v11 =	vor.u32 v16, v5;
	v5 =	vor.u32 v21, v12;
	[tilespmem:s9+$0x10] =	vst v13;
	v12 =	vld.idx.msk [tilespmem:v24+s23+$0x0], $0xffff  }
0x12f: {  	v2 =	vand.u32 $0xFFFFFE00, v2;
	v13 =	vor.u32 $0x180, v3;
	v3 =	vmov v14;
	v7 =	vld.idx.msk [tilespmem:v7+s23+$0x0], $0xffff;
	[tilespmem:s9+$0x30] =	vst v19  }
0x130: {  	v14 =	vand.u32 $0x7F, v18;
	v18 =	vor.u32 $0x180, v0;
	v0 =	vmovc v11;
	v19 =	vor.u32 $0x180, v1;
	[tilespmem:s9+$0x80] =	vst v20;
	v16 =	vld.idx.msk [tilespmem:v6+s23+$0x0], $0xffff  }
0x131: {  	v21 =	vor.u32 $0x80, v4;
	v2 =	vor.u32 v14, v2;
	v1 =	vand.u32 $0x7F, v15;
	[tilespmem:s9+$0x20] =	vst v22;
	v11 =	vld.idx.msk [tilespmem:v23+s23+$0x0], $0xffff  }
0x132: {  	v6 =	vor.u32 v1, v9;
	v1 =	vshll.u32 v10, $0x2;
	v9 =	vld.idx.msk [tilespmem:v26+s23+$0x0], $0xffff;
	[tilespmem:s9+$0x60] =	vst v25  }
0x133: {  	v10 =	vand.u32 $0x7F, v10;
	v1 =	vand.u32 $0xFFFFFE00, v1;
	v15 =	vld.idx.msk [tilespmem:v4+s23+$0x0], $0xffff;
	[tilespmem:s9+$0x70] =	vst v8  }
0x134: {  	v1 =	vor.u32 v10, v1;
	[tilespmem:s9+$0x40] =	vst v12;
	v22 =	vld.idx.msk [tilespmem:v13+s23+$0x0], $0xffff  }
0x135: {  	v8 =	vshll.u32 v17, $0x2;
	v12 =	vor.u32 $0x80, v5;
	v13 =	vld.idx.msk [tilespmem:v0+s23+$0x0], $0xffff;
	[tilespmem:s9+$0x90] =	vst v7  }
0x136: {  	v10 =	vand.u32 $0xFFFFFE00, v8;
	v8 =	vor.u32 $0x80, v3;
	v7 =	vand.u32 $0x7F, v17;
	[tilespmem:s9+$0xB0] =	vst v16;
	v16 =	vld.idx.msk [tilespmem:v18+s23+$0x0], $0xffff  }
0x137: {  	v7 =	vor.u32 v7, v10;
	[tilespmem:s9+$0xD0] =	vst v11;
	v23 =	vld.idx.msk [tilespmem:v19+s23+$0x0], $0xffff  }
0x138: {  	v14 =	vor.u32 $0x80, v7;
	v11 =	vld.idx.msk [tilespmem:v2+s23+$0x0], $0xffff  }
.Ltmp7:
0x139: {  	[tilespmem:s18+$0xFFFFFF00] =	vst v15;
	v15 =	vor.u32 $0x80, v2;
	v17 =	vld.idx.msk [tilespmem:v5+s23+$0x0], $0xffff;
	(pc) =	sbr.rel @p1 .LBB2_11-.Ltmp7, $4  }
0x13a: {  	v20 =	vor.u32 $0x80, v0;
	v10 =	vld.idx.msk [tilespmem:v1+s23+$0x0], $0xffff;
	[tilespmem:s9+$0xF0] =	vst v22  }
0x13b: {  	v18 =	vld.idx.msk [tilespmem:v21+s23+$0x0], $0xffff;
	[tilespmem:s9+$0xA0] =	vst v9  }
0x13c: {  	v19 =	vld.idx.msk [tilespmem:v7+s23+$0x0], $0xffff;
	[tilespmem:s9+$0xC0] =	vst v16  }
0x13d: {  	s6 =	sadd.s32 $0x80, s6;
	v9 =	vor.u32 $0x80, v1;
	v16 =	vld.idx.msk [tilespmem:v6+s23+$0x0], $0xffff;
	[tilespmem:s9+$0xE0] =	vst v23;
	s9 =	smov.u32 s18  }
0x13e: {  	_ =	sdelay $0x2  }
0x13f: {  	[tilespmem:s9+$0xFFFFFF40] =	vst v13  }
0x140: {  	v13 =	vld.idx.msk [tilespmem:v3+s23+$0x0], $0xffff;
	[tilespmem:s9+$0xFFFFFF50] =	vst v17  }
0x141: {  	[tilespmem:s9+$0xFFFFFF20] =	vst v11;
	v17 =	vld.idx.msk [tilespmem:v20+s23+$0x0], $0xffff;
	v20 =	vor.u32 $0x100, v4  }
0x142: {  	[tilespmem:s9+$0xFFFFFF80] =	vst v18  }
0x143: {  	v12 =	vld.idx.msk [tilespmem:v12+s23+$0x0], $0xffff;
	v18 =	vor.u32 $0x80, v6;
	[tilespmem:s9+$0xFFFFFF10] =	vst v19  }
0x144: {  	[tilespmem:s9+$0xFFFFFF60] =	vst v10;
	v11 =	vld.idx.msk [tilespmem:v14+s23+$0x0], $0xffff  }
0x145: {  	[tilespmem:s9+$0xFFFFFF70] =	vst v13;
	v13 =	vld.idx.msk [tilespmem:v15+s23+$0x0], $0xffff  }
0x146: {  	v14 =	vor.u32 $0x100, v5;
	[tilespmem:s9+$0xFFFFFFC0] =	vst v17;
	v17 =	vld.idx.msk [tilespmem:v20+s23+$0x0], $0xffff  }
0x147: {  	v10 =	vor.u32 $0x100, v2;
	[tilespmem:s9+$0xFFFFFF30] =	vst v16;
	v8 =	vld.idx.msk [tilespmem:v8+s23+$0x0], $0xffff  }
0x148: {  	v16 =	vor.u32 $0x100, v7;
	[tilespmem:s9+$0xFFFFFFD0] =	vst v12;
	v15 =	vld.idx.msk [tilespmem:v18+s23+$0x0], $0xffff  }
0x149: {  	v4 =	vor.u32 $0x180, v4;
	[tilespmem:s9+$0xFFFFFF90] =	vst v11  }
0x14a: {  	v9 =	vld.idx.msk [tilespmem:v9+s23+$0x0], $0xffff;
	v12 =	vor.u32 $0x100, v6;
	[tilespmem:s9+$0xFFFFFFA0] =	vst v13  }
0x14b: {  	v11 =	vld.idx.msk [tilespmem:v14+s23+$0x0], $0xffff;
	v14 =	vor.u32 $0x100, v1;
	[tilespmem:s9+$0x0] =	vst v17  }
0x14c: {  	v13 =	vor.u32 $0x100, v3;
	[tilespmem:s9+$0xFFFFFFF0] =	vst v8;
	v8 =	vld.idx.msk [tilespmem:v10+s23+$0x0], $0xffff  }
0x14d: {  	v5 =	vor.u32 $0x180, v5;
	[tilespmem:s9+$0xFFFFFFB0] =	vst v15;
	v15 =	vld.idx.msk [tilespmem:v16+s23+$0x0], $0xffff  }
0x14e: {  	v16 =	vor.u32 $0x100, v0;
	v4 =	vld.idx.msk [tilespmem:v4+s23+$0x0], $0xffff  }
0x14f: {  	v2 =	vor.u32 $0x180, v2;
	[tilespmem:s9+$0xFFFFFFE0] =	vst v9;
	v12 =	vld.idx.msk [tilespmem:v12+s23+$0x0], $0xffff  }
0x150: {  	v7 =	vor.u32 $0x180, v7;
	[tilespmem:s9+$0x50] =	vst v11;
	v10 =	vld.idx.msk [tilespmem:v14+s23+$0x0], $0xffff  }
0x151: {  	v6 =	vor.u32 $0x180, v6;
	v9 =	vld.idx.msk [tilespmem:v13+s23+$0x0], $0xffff;
	[tilespmem:s9+$0x20] =	vst v8  }
0x152: {  	v1 =	vor.u32 $0x180, v1;
	v5 =	vld.idx.msk [tilespmem:v5+s23+$0x0], $0xffff;
	[tilespmem:s9+$0x10] =	vst v15  }
0x153: {  	v3 =	vor.u32 $0x180, v3;
	v11 =	vld.idx.msk [tilespmem:v16+s23+$0x0], $0xffff;
	[tilespmem:s9+$0x80] =	vst v4  }
0x154: {  	v0 =	vor.u32 $0x180, v0;
	v2 =	vld.idx.msk [tilespmem:v2+s23+$0x0], $0xffff;
	[tilespmem:s9+$0x30] =	vst v12  }
0x155: {  	v7 =	vld.idx.msk [tilespmem:v7+s23+$0x0], $0xffff;
	[tilespmem:s9+$0x60] =	vst v10  }
0x156: {  	v4 =	vld.idx.msk [tilespmem:v6+s23+$0x0], $0xffff;
	[tilespmem:s9+$0x70] =	vst v9  }
0x157: {  	v1 =	vld.idx.msk [tilespmem:v1+s23+$0x0], $0xffff;
	[tilespmem:s9+$0xD0] =	vst v5  }
0x158: {  	v3 =	vld.idx.msk [tilespmem:v3+s23+$0x0], $0xffff;
	[tilespmem:s9+$0x40] =	vst v11  }
0x159: {  	[tilespmem:s9+$0xA0] =	vst v2;
	v0 =	vld.idx.msk [tilespmem:v0+s23+$0x0], $0xffff  }
0x15a: {  	[tilespmem:s9+$0x90] =	vst v7  }
0x15b: {  	[tilespmem:s9+$0xB0] =	vst v4  }
0x15c: {  	[tilespmem:s9+$0xE0] =	vst v1  }
0x15d: {  	[tilespmem:s9+$0xF0] =	vst v3  }
0x15e: {  	s6 =	sadd.s32 s8, s13;
	s17 =	simm.s32 @!p0 $0x400;
	[tilespmem:s9+$0xC0] =	vst v0  }
0x15f: {  	[hbm4b:s6+s19] =	stream.strided.scatter [tilespmem:s26], [sflag:$0x5], $0x4000, s20, s19, $0x38;
	[tilespmem:$0x19000] =	vst v63  }
0x160: {  	s18 =	simm.s32 @!p0 $0x9000;
	s9 =	simm.s32 @!p0 $0x200;
	s6 =	sadd.s32 @!p0 s7, s14  }
0x161: {  	[tilespmem:s18], [sflag:$0x3] =	stream.strided.gather @!p0 [hbm4b:s6+s9], $0x4000, s17, s9, $0x38;
	[tilespmem:$0x19000] =	vst v63  }
0x162: {  	_ =	swait.ge [sflag:s2], $0x4000  }
0x163: {  	[sflag:s2] =	ssyncset.done $0x0  }
0x164: {  	[sflag:s2] =	ssyncadd.s32 $0xFFFFC000  }
0x165: {  	_ =	swait.ge [sflag:s29], $0x4000  }
0x166: {  	[sflag:s29] =	ssyncset.done $0x0  }
0x167: {  	s18 =	simm.s32 $0x40;
	[sflag:s29] =	ssyncadd.s32 $0xFFFFC000  }
0x168: {  	v0 =	vld [tilespmem:s18+$0xFFFFFFC0]  }
0x169: {  	v1 =	vld [tilespmem:s18+$0x10]  }
0x16a: {  	v3 =	vld [tilespmem:s18+$0xFFFFFFE0]  }
0x16b: {  	v2 =	vld [tilespmem:s18+$0x0];
	_ =	sdelay $0x1  }
0x16c: {  	v6 =	vld [tilespmem:s18+$0x20]  }
0x16d: {  	v7 =	vld [tilespmem:s18+$0xFFFFFFF0];
	v4 =	vshll.u32 v0, $0x2;
	v0 =	vand.u32 $0x7F, v0;
	v5 =	vshll.u32 v1, $0x2  }
0x16e: {  	v1 =	vand.u32 $0x7F, v1;
	v9 =	vshll.u32 v3, $0x2;
	v4 =	vand.u32 $0xFFFFFE00, v4  }
0x16f: {  	v8 =	vld [tilespmem:s18+$0xFFFFFFD0];
	v3 =	vand.u32 $0x7F, v3;
	v4 =	vor.u32 v0, v4;
	v0 =	vshll.u32 v2, $0x2  }
0x170: {  	v5 =	vand.u32 $0xFFFFFE00, v5;
	v2 =	vand.u32 $0x7F, v2;
	v0 =	vand.u32 $0xFFFFFE00, v0  }
0x171: {  	v5 =	vor.u32 v1, v5;
	v0 =	vor.u32 v2, v0;
	v2 =	vand.u32 $0xFFFFFE00, v9;
	v9 =	vld [tilespmem:s18+$0x30]  }
0x172: {  	v11 =	vand.u32 $0x7F, v7;
	v2 =	vor.u32 v3, v2;
	v3 =	vshll.u32 v6, $0x2  }
0x173: {  	v1 =	vand.u32 $0x7F, v6;
	v12 =	vor.u32 $0x80, v4;
	v3 =	vand.u32 $0xFFFFFE00, v3  }
0x174: {  	v6 =	vshll.u32 v7, $0x2;
	v10 =	vld.idx.msk [tilespmem:v4+s24+$0x0], $0xffff;
	v1 =	vor.u32 v1, v3;
	v3 =	vshll.u32 v8, $0x2  }
0x175: {  	v6 =	vand.u32 $0xFFFFFE00, v6;
	v8 =	vand.u32 $0x7F, v8;
	v3 =	vand.u32 $0xFFFFFE00, v3  }
0x176: {  	v6 =	vor.u32 v11, v6;
	v17 =	vld.idx.msk [tilespmem:v5+s24+$0x0], $0xffff;
	v7 =	vor.u32 v8, v3;
	v3 =	vshll.u32 v9, $0x2  }
0x177: {  	v13 =	vld.idx.msk [tilespmem:v0+s24+$0x0], $0xffff;
	v8 =	vand.u32 $0x7F, v9;
	v3 =	vand.u32 $0xFFFFFE00, v3  }
0x178: {  	s9 =	simm.s32 $0x15100;
	v11 =	vld.idx.msk [tilespmem:v2+s24+$0x0], $0xffff;
	v3 =	vor.u32 v8, v3  }
0x179: {  	v20 =	vor.u32 $0x80, v0;
	[tilespmem:s9+$0xFFFFFF00] =	vst v10;
	v10 =	vld.idx.msk [tilespmem:v1+s24+$0x0], $0xffff  }
0x17a: {  	v18 =	vld.idx.msk [tilespmem:v12+s24+$0x0], $0xffff;
	v12 =	vor.u32 $0x80, v5  }
0x17b: {  	v15 =	vor.u32 $0x80, v2;
	v16 =	vld.idx.msk [tilespmem:v6+s24+$0x0], $0xffff  }
0x17c: {  	s17 =	simm.s32 $0x0;
	s6 =	simm.s32 $0xC0;
	s18 =	simm.s32 $0x15100;
	v9 =	vor.u32 $0x80, v1;
	v14 =	vor.u32 $0x80, v7;
	v8 =	vor.u32 $0x80, v3;
	v19 =	vld.idx.msk [tilespmem:v7+s24+$0x0], $0xffff  }
.LBB2_13:
0x17d: {  	s17 =	sadd.s32 $0x8, s17;
	[tilespmem:s9+$0xFFFFFF40] =	vst v13;
	v13 =	vld.idx.msk [tilespmem:v3+s24+$0x0], $0xffff;
	s18 =	sadd.s32 $0x200, s18  }
0x17e: {  	p1 =	slt.u32 s17, $0xF8;
	v20 =	vld.idx.msk [tilespmem:v20+s24+$0x0], $0xffff;
	[tilespmem:s9+$0xFFFFFF50] =	vst v17  }
0x17f: {  	v17 =	vor.u32 $0x100, v4;
	v12 =	vld.idx.msk [tilespmem:v12+s24+$0x0], $0xffff  }
0x180: {  	v21 =	vld [tilespmem:s6+$0x10];
	[tilespmem:s9+$0xFFFFFF80] =	vst v18  }
0x181: {  	v18 =	vld [tilespmem:s6+$0xFFFFFFE0];
	[tilespmem:s9+$0xFFFFFF10] =	vst v19;
	v19 =	vor.u32 $0x80, v6  }
0x182: {  	v14 =	vld.idx.msk [tilespmem:v14+s24+$0x0], $0xffff;
	[tilespmem:s9+$0xFFFFFF20] =	vst v11  }
0x183: {  	v11 =	vld.idx.msk [tilespmem:v15+s24+$0x0], $0xffff;
	[tilespmem:s9+$0xFFFFFF70] =	vst v13  }
0x184: {  	v13 =	vld.idx.msk [tilespmem:v17+s24+$0x0], $0xffff;
	[tilespmem:s9+$0xFFFFFFC0] =	vst v20  }
0x185: {  	v15 =	vld [tilespmem:s6+$0xFFFFFFF0];
	[tilespmem:s9+$0xFFFFFF30] =	vst v16  }
0x186: {  	v16 =	vld.idx.msk [tilespmem:v19+s24+$0x0], $0xffff;
	[tilespmem:s9+$0xFFFFFFD0] =	vst v12  }
0x187: {  	v12 =	vld [tilespmem:s6+$0xFFFFFFC0];
	[tilespmem:s9+$0xFFFFFF60] =	vst v10  }
0x188: {  	[tilespmem:s9+$0xFFFFFF90] =	vst v14;
	v8 =	vld.idx.msk [tilespmem:v8+s24+$0x0], $0xffff  }
0x189: {  	v10 =	vld [tilespmem:s6+$0x20];
	[tilespmem:s9+$0xFFFFFFA0] =	vst v11;
	v11 =	vor.u32 $0x100, v5  }
0x18a: {  	v14 =	vld [tilespmem:s6+$0x30];
	[tilespmem:s9+$0x0] =	vst v13;
	v13 =	vor.u32 $0x100, v7  }
0x18b: {  	v19 =	vor.u32 $0x100, v6;
	v17 =	vld [tilespmem:s6+$0xFFFFFFD0]  }
0x18c: {  	v20 =	vor.u32 $0x180, v4;
	[tilespmem:s9+$0xFFFFFFB0] =	vst v16;
	v9 =	vld.idx.msk [tilespmem:v9+s24+$0x0], $0xffff  }
0x18d: {  	v22 =	vor.u32 $0x100, v2;
	v23 =	vor.u32 $0x180, v5;
	v5 =	vor.u32 $0x100, v1;
	v16 =	vld [tilespmem:s6+$0x0]  }
0x18e: {  	v24 =	vor.u32 $0x100, v0;
	v4 =	vshll.u32 v12, $0x2;
	v11 =	vld.idx.msk [tilespmem:v11+s24+$0x0], $0xffff;
	[tilespmem:s9+$0xFFFFFFF0] =	vst v8;
	v8 =	vor.u32 $0x100, v3  }
0x18f: {  	v4 =	vand.u32 $0xFFFFFE00, v4;
	v25 =	vand.u32 $0x7F, v14;
	v14 =	vshll.u32 v14, $0x2;
	v13 =	vld.idx.msk [tilespmem:v13+s24+$0x0], $0xffff  }
0x190: {  	v6 =	vor.u32 $0x180, v6;
	v12 =	vand.u32 $0x7F, v12;
	v14 =	vand.u32 $0xFFFFFE00, v14;
	v19 =	vld.idx.msk [tilespmem:v19+s24+$0x0], $0xffff  }
0x191: {  	v7 =	vor.u32 $0x180, v7;
	v4 =	vor.u32 v12, v4;
	v12 =	vshll.u32 v21, $0x2;
	v20 =	vld.idx.msk [tilespmem:v20+s24+$0x0], $0xffff  }
0x192: {  	v26 =	vshll.u32 v15, $0x2;
	v14 =	vor.u32 v25, v14;
	v27 =	vshll.u32 v16, $0x2;
	v22 =	vld.idx.msk [tilespmem:v22+s24+$0x0], $0xffff;
	[tilespmem:s9+$0xFFFFFFE0] =	vst v9  }
0x193: {  	v21 =	vand.u32 $0x7F, v21;
	v9 =	vand.u32 $0xFFFFFE00, v26;
	v16 =	vand.u32 $0x7F, v16;
	v25 =	vld.idx.msk [tilespmem:v5+s24+$0x0], $0xffff  }
0x194: {  	v12 =	vand.u32 $0xFFFFFE00, v12;
	v26 =	vor.u32 $0x180, v2;
	v5 =	vand.u32 $0xFFFFFE00, v27;
	[tilespmem:s9+$0x50] =	vst v11;
	v8 =	vld.idx.msk [tilespmem:v8+s24+$0x0], $0xffff  }
0x195: {  	v2 =	vshll.u32 v18, $0x2;
	v11 =	vor.u32 v16, v5;
	v5 =	vor.u32 v21, v12;
	[tilespmem:s9+$0x10] =	vst v13;
	v12 =	vld.idx.msk [tilespmem:v24+s24+$0x0], $0xffff  }
0x196: {  	v2 =	vand.u32 $0xFFFFFE00, v2;
	v13 =	vor.u32 $0x180, v3;
	v3 =	vmov v14;
	v7 =	vld.idx.msk [tilespmem:v7+s24+$0x0], $0xffff;
	[tilespmem:s9+$0x30] =	vst v19  }
0x197: {  	v14 =	vand.u32 $0x7F, v18;
	v18 =	vor.u32 $0x180, v0;
	v0 =	vmovc v11;
	v19 =	vor.u32 $0x180, v1;
	[tilespmem:s9+$0x80] =	vst v20;
	v16 =	vld.idx.msk [tilespmem:v6+s24+$0x0], $0xffff  }
0x198: {  	v21 =	vor.u32 $0x80, v4;
	v2 =	vor.u32 v14, v2;
	v1 =	vand.u32 $0x7F, v15;
	[tilespmem:s9+$0x20] =	vst v22;
	v11 =	vld.idx.msk [tilespmem:v23+s24+$0x0], $0xffff  }
0x199: {  	v6 =	vor.u32 v1, v9;
	v1 =	vshll.u32 v10, $0x2;
	v9 =	vld.idx.msk [tilespmem:v26+s24+$0x0], $0xffff;
	[tilespmem:s9+$0x60] =	vst v25  }
0x19a: {  	v10 =	vand.u32 $0x7F, v10;
	v1 =	vand.u32 $0xFFFFFE00, v1;
	v15 =	vld.idx.msk [tilespmem:v4+s24+$0x0], $0xffff;
	[tilespmem:s9+$0x70] =	vst v8  }
0x19b: {  	v1 =	vor.u32 v10, v1;
	[tilespmem:s9+$0x40] =	vst v12;
	v22 =	vld.idx.msk [tilespmem:v13+s24+$0x0], $0xffff  }
0x19c: {  	v8 =	vshll.u32 v17, $0x2;
	v12 =	vor.u32 $0x80, v5;
	v13 =	vld.idx.msk [tilespmem:v0+s24+$0x0], $0xffff;
	[tilespmem:s9+$0x90] =	vst v7  }
0x19d: {  	v10 =	vand.u32 $0xFFFFFE00, v8;
	v8 =	vor.u32 $0x80, v3;
	v7 =	vand.u32 $0x7F, v17;
	[tilespmem:s9+$0xB0] =	vst v16;
	v16 =	vld.idx.msk [tilespmem:v18+s24+$0x0], $0xffff  }
0x19e: {  	v7 =	vor.u32 v7, v10;
	[tilespmem:s9+$0xD0] =	vst v11;
	v23 =	vld.idx.msk [tilespmem:v19+s24+$0x0], $0xffff  }
0x19f: {  	v14 =	vor.u32 $0x80, v7;
	v11 =	vld.idx.msk [tilespmem:v2+s24+$0x0], $0xffff  }
.Ltmp8:
0x1a0: {  	[tilespmem:s18+$0xFFFFFF00] =	vst v15;
	v15 =	vor.u32 $0x80, v2;
	v17 =	vld.idx.msk [tilespmem:v5+s24+$0x0], $0xffff;
	(pc) =	sbr.rel @p1 .LBB2_13-.Ltmp8, $4  }
0x1a1: {  	v20 =	vor.u32 $0x80, v0;
	v10 =	vld.idx.msk [tilespmem:v1+s24+$0x0], $0xffff;
	[tilespmem:s9+$0xF0] =	vst v22  }
0x1a2: {  	v18 =	vld.idx.msk [tilespmem:v21+s24+$0x0], $0xffff;
	[tilespmem:s9+$0xA0] =	vst v9  }
0x1a3: {  	v19 =	vld.idx.msk [tilespmem:v7+s24+$0x0], $0xffff;
	[tilespmem:s9+$0xC0] =	vst v16  }
0x1a4: {  	s6 =	sadd.s32 $0x80, s6;
	v9 =	vor.u32 $0x80, v1;
	v16 =	vld.idx.msk [tilespmem:v6+s24+$0x0], $0xffff;
	[tilespmem:s9+$0xE0] =	vst v23;
	s9 =	smov.u32 s18  }
0x1a5: {  	_ =	sdelay $0x1  }
0x1a6: {  	[tilespmem:s9+$0xFFFFFF40] =	vst v13  }
0x1a7: {  	[tilespmem:s9+$0xFFFFFF50] =	vst v17  }
0x1a8: {  	v34 =	vld.idx.msk [tilespmem:v3+s24+$0x0], $0xffff;
	[tilespmem:s9+$0xFFFFFF20] =	vst v11  }
0x1a9: {  	v36 =	vor.u32 $0x80, v6;
	v35 =	vld.idx.msk [tilespmem:v20+s24+$0x0], $0xffff;
	[tilespmem:s9+$0xFFFFFF60] =	vst v10  }
0x1aa: {  	v37 =	vor.u32 $0x100, v4;
	v12 =	vld.idx.msk [tilespmem:v12+s24+$0x0], $0xffff;
	[tilespmem:s9+$0xFFFFFF80] =	vst v18  }
0x1ab: {  	v39 =	vld.idx.msk [tilespmem:v15+s24+$0x0], $0xffff;
	[tilespmem:s9+$0xFFFFFF10] =	vst v19  }
0x1ac: {  	v40 =	vor.u32 $0x100, v5;
	v9 =	vld.idx.msk [tilespmem:v9+s24+$0x0], $0xffff;
	[tilespmem:s9+$0xFFFFFF30] =	vst v16  }
0x1ad: {  	v46 =	vor.u32 $0x100, v2;
	v38 =	vld.idx.msk [tilespmem:v14+s24+$0x0], $0xffff;
	[tilespmem:s9+$0xFFFFFF70] =	vst v34  }
0x1ae: {  	v51 =	vor.u32 $0x100, v0;
	v41 =	vld.idx.msk [tilespmem:v36+s24+$0x0], $0xffff;
	[tilespmem:s9+$0xFFFFFFC0] =	vst v35  }
0x1af: {  	v49 =	vor.u32 $0x100, v1;
	v43 =	vld.idx.msk [tilespmem:v37+s24+$0x0], $0xffff;
	[tilespmem:s9+$0xFFFFFFD0] =	vst v12  }
0x1b0: {  	v42 =	vor.u32 $0x100, v7;
	v8 =	vld.idx.msk [tilespmem:v8+s24+$0x0], $0xffff;
	[tilespmem:s9+$0xFFFFFFA0] =	vst v39  }
0x1b1: {  	v44 =	vor.u32 $0x100, v6;
	v47 =	vld.idx.msk [tilespmem:v40+s24+$0x0], $0xffff;
	[tilespmem:s9+$0xFFFFFFE0] =	vst v9  }
0x1b2: {  	v45 =	vor.u32 $0x180, v4;
	v54 =	vld.idx.msk [tilespmem:v46+s24+$0x0], $0xffff;
	[tilespmem:s9+$0xFFFFFF90] =	vst v38  }
0x1b3: {  	v48 =	vor.u32 $0x100, v3;
	v60 =	vld.idx.msk [tilespmem:v51+s24+$0x0], $0xffff;
	[tilespmem:s9+$0xFFFFFFB0] =	vst v41  }
0x1b4: {  	v55 =	vor.u32 $0x180, v5;
	v57 =	vld.idx.msk [tilespmem:v49+s24+$0x0], $0xffff;
	[tilespmem:s9+$0x0] =	vst v43  }
0x1b5: {  	v59 =	vor.u32 $0x180, v2;
	v50 =	vld.idx.msk [tilespmem:v42+s24+$0x0], $0xffff;
	[tilespmem:s9+$0xFFFFFFF0] =	vst v8  }
0x1b6: {  	v61 =	vor.u32 $0x180, v0;
	v12 =	vld.idx.msk [tilespmem:v44+s24+$0x0], $0xffff;
	[tilespmem:s9+$0x50] =	vst v47  }
0x1b7: {  	v63 =	vor.u32 $0x180, v1;
	v4 =	vld.idx.msk [tilespmem:v45+s24+$0x0], $0xffff;
	[tilespmem:s9+$0x20] =	vst v54  }
0x1b8: {  	v52 =	vor.u32 $0x180, v7;
	v56 =	vld.idx.msk [tilespmem:v48+s24+$0x0], $0xffff;
	[tilespmem:s9+$0x40] =	vst v60  }
0x1b9: {  	v53 =	vor.u32 $0x180, v6;
	v5 =	vld.idx.msk [tilespmem:v55+s24+$0x0], $0xffff;
	[tilespmem:s9+$0x60] =	vst v57  }
0x1ba: {  	v58 =	vor.u32 $0x180, v3;
	v2 =	vld.idx.msk [tilespmem:v59+s24+$0x0], $0xffff;
	[tilespmem:s9+$0x10] =	vst v50  }
0x1bb: {  	v0 =	vld.idx.msk [tilespmem:v61+s24+$0x0], $0xffff;
	[tilespmem:s9+$0x30] =	vst v12  }
0x1bc: {  	v1 =	vld.idx.msk [tilespmem:v63+s24+$0x0], $0xffff;
	[tilespmem:s9+$0x80] =	vst v4  }
0x1bd: {  	v7 =	vld.idx.msk [tilespmem:v52+s24+$0x0], $0xffff;
	[tilespmem:s9+$0x70] =	vst v56  }
0x1be: {  	v62 =	vld.idx.msk [tilespmem:v53+s24+$0x0], $0xffff;
	[tilespmem:s9+$0xD0] =	vst v5  }
0x1bf: {  	v3 =	vld.idx.msk [tilespmem:v58+s24+$0x0], $0xffff;
	[tilespmem:s9+$0xA0] =	vst v2  }
0x1c0: {  	[tilespmem:s9+$0xC0] =	vst v0  }
.Ltmp9:
0x1c1: {  	[tilespmem:s9+$0xE0] =	vst v1;
	(pc) =	sbr.rel @p0 .LBB2_16-.Ltmp9, $4  }
0x1c2: {  	[tilespmem:s9+$0x90] =	vst v7  }
0x1c3: {  	[tilespmem:s9+$0xB0] =	vst v62  }
0x1c4: {  	s6 =	sadd.s32 s8, s15;
	[tilespmem:s9+$0xF0] =	vst v3  }
0x1c5: {  	[hbm4b:s6+s19] =	stream.strided.scatter [tilespmem:s30], [sflag:$0x6], $0x4000, s20, s19, $0x38;
	[tilespmem:$0x19000] =	vst v63  }
.Ltmp10:
0x1c6: {  	(pc) =	sbr.rel .LBB2_2-.Ltmp10, $3  }
0x1c7: {  	_ =	sdelay $0x1  }
0x1c8: {  	s6 =	sadd.s32 s7, s16;
	s4 =	sadd.s32 $0x1, s4  }
0x1c9: {  	[tilespmem:s24], [sflag:$0x4] =	stream.strided.gather [hbm4b:s6+s19], $0x4000, s20, s19, $0x38;
	[tilespmem:$0x19000] =	vst v63  }
.LBB2_17:
0x1ca: {  	_ =	sfence.sel $0x180000  }
0x1cb: {  	[bflag:$0x0] =	sbarrier.arrive $0xFFFF  }
0x1cc: {  	_ =	strace $0x90000047  }
0x1cd: {  	s0 =	stileid.u32;
	[bflag:$0x2] =	sbarrier.arrive $0xFFFF  }
0x1ce: {  	p0 =	sne.s32 s0, $0x0;
	s0 =	rddreg [dreg:$0x3]  }
0x1cf: {  	s0 =	sadd.s32 @!p0 $0x100000, s0  }
0x1d0: {  	[sflag:s0] =	ssyncadd.tile.s32 @!p0 $0x1;
	_ =	shalt  }
.Lfunc_end2:
_tile_overlayer_lowered:
.L_overlay_start_2:
0x1d1: {  	(tag) =	ssettag $0x2  }
0x1d2: {  	s0 =	rddreg [dreg:$0x0];
	s2 =	stileid.u32  }
0x1d3: {  	s1 =	rddreg [dreg:$0x1];
	p0 =	sne.s32 s2, $0x0  }
0x1d4: {  	s3 =	rddreg [dreg:$0x2];
	[bflag:$0x3] =	sbarrier.arrive $0xFFFF;
	s2 =	simm.s32 @!p0 $0x1C07  }
0x1d5: {  	[timem:s3], [sflag:s2] =	dma.local @!p0 [hbm:s0], s1  }
0x1d6: {  	s0 =	simm.s32 @!p0 $0x7  }
0x1d7: {  	_ =	swait.ge @!p0 [sflag:s0], s1  }
0x1d8: {  	s1 =	ssub.s32 @!p0 $0x0, s1;
	[sflag:s0] =	ssyncset.done @!p0 $0x0  }
0x1d9: {  	[sflag:s0] =	ssyncadd.s32 @!p0 s1  }
0x1da: {  	[bflag:$0x3] =	sbarrier.arrive $0xFFFF  }
0x1db: {  	_ =	shalt  }

</sc_bundles>
